<compile_context>
chip_gen: v7x
topology: tpu7x:2x2x1
jax: 0.10.2.dev20260603
libtpu: 0.0.44.dev20260713+nightly
codegen_flags: <defaults>
</compile_context>

<pallas_src>
import functools

import jax
import jax.numpy as jnp
from jax import lax
from jax.experimental import pallas as pl
from jax.experimental.pallas import tpu as pltpu
from jax.experimental.pallas import tpu_sc as plsc

N_NODES = 10000
N_EDGES = 320000
D_FEAT = 128

NC = 2
NS = 16
NW = NC * NS
LANES = 16

CHUNK = 128
K_CHUNKS = -(-N_EDGES // (NW * CHUNK))
K_CHUNKS += K_CHUNKS % 2
G = 4
NG = K_CHUNKS // G
K_IDX = K_CHUNKS + 2 * G
E_PAD = NW * K_CHUNKS * CHUNK
ACC_ROWS = 10240
JUNK_ROWS = ACC_ROWS - N_NODES
STRIPE = ACC_ROWS // NS


def _sc_segment_sum(x, src3, dst3):
    mesh = plsc.VectorSubcoreMesh(core_axis_name="c", subcore_axis_name="s")

    @functools.partial(
        pl.kernel,
        mesh=mesh,
        out_type=jax.ShapeDtypeStruct((NC, ACC_ROWS, D_FEAT), jnp.float32),
        scratch_types=[
            pltpu.VMEM((K_IDX, CHUNK), jnp.int32),
            pltpu.VMEM((G, CHUNK), jnp.int32),
            pltpu.VMEM((G, CHUNK), jnp.int32),
            pltpu.VMEM((CHUNK, D_FEAT), jnp.float32),
            pltpu.VMEM((CHUNK, D_FEAT), jnp.float32),
            pltpu.VMEM_SHARED((ACC_ROWS, D_FEAT), jnp.float32),
            pltpu.SemaphoreType.DMA,
            pltpu.SemaphoreType.DMA,
            pltpu.SemaphoreType.DMA,
            pltpu.SemaphoreType.DMA,
        ],
    )
    def k(x_hbm, src_hbm, dst_hbm, out_hbm, sidx, dg0, dg1, rows0, rows1,
          acc, g0, g1, i0, i1):
        c = lax.axis_index("c")
        s = lax.axis_index("s")
        wid = s * NC + c

        def wait_dst(dg, isem):
            pltpu.make_async_copy(
                dst_hbm.at[wid, pl.ds(0, G)], dg, isem).wait()

        h_src = pltpu.async_copy(src_hbm.at[wid], sidx, g0)
        pltpu.async_copy(dst_hbm.at[wid, pl.ds(0, G)], dg0, i0)
        pltpu.async_copy(dst_hbm.at[wid, pl.ds(G, G)], dg1, i1)

        @pl.loop(0, CHUNK)
        def _(r):
            @pl.loop(0, D_FEAT, step=LANES)
            def _(col):
                rows0.at[pl.ds(r, 1), pl.ds(col, LANES)][...] = jnp.zeros(
                    (1, LANES), jnp.float32)

        base = s * STRIPE
        for b in range(STRIPE // CHUNK):
            pltpu.sync_copy(rows0, acc.at[pl.ds(base + b * CHUNK, CHUNK)])

        h_src.wait()
        plsc.subcore_barrier()

        pltpu.async_copy(x_hbm.at[sidx.at[0]], rows0, g0)

        @pl.loop(0, NG, step=2)
        def _(p):
            for gslot, dg, isem in ((0, dg0, i0), (1, dg1, i1)):
                grp = p + gslot
                jb = grp * G
                wait_dst(dg, isem)
                for t in range(G):
                    ch = jb + t
                    rb, rnb = (rows0, rows1) if t % 2 == 0 else (rows1, rows0)
                    sb, snb = (g0, g1) if t % 2 == 0 else (g1, g0)
                    pltpu.async_copy(x_hbm.at[sidx.at[ch + 1]], rnb, snb)
                    pltpu.make_async_copy(x_hbm.at[sidx.at[ch]], rb, sb).wait()
                    pltpu.sync_copy(rb, acc.at[dg.at[t]], add=True)
                pltpu.async_copy(
                    dst_hbm.at[wid, pl.ds((grp + 2) * G, G)], dg, isem)

        wait_dst(dg0, i0)
        wait_dst(dg1, i1)
        pltpu.make_async_copy(x_hbm.at[sidx.at[0]], rows0, g0).wait()

        plsc.subcore_barrier()

        pltpu.sync_copy(acc.at[pl.ds(base, STRIPE)],
                        out_hbm.at[c, pl.ds(base, STRIPE)])

    return k(x, src3, dst3)


def _combine(parts, W):
    blk = 1000

    def body(p_ref, w_ref, o_ref):
        o_ref[...] = (p_ref[0] + p_ref[1]) * w_ref[...]

    return pl.pallas_call(
        body,
        grid=(N_NODES // blk,),
        in_specs=[
            pl.BlockSpec((NC, blk, D_FEAT), lambda i: (0, i, 0)),
            pl.BlockSpec((1, D_FEAT), lambda i: (0, 0)),
        ],
        out_specs=pl.BlockSpec((blk, D_FEAT), lambda i: (i, 0)),
        out_shape=jax.ShapeDtypeStruct((N_NODES, D_FEAT), jnp.float32),
    )(parts, W)


def kernel(x, edge_index, W):
    src = edge_index[0]
    dst = edge_index[1]
    pad = E_PAD - N_EDGES
    pad_src = (jnp.arange(pad, dtype=jnp.int32) * 97) % N_NODES
    pad_dst = N_NODES + (jnp.arange(pad, dtype=jnp.int32) % JUNK_ROWS)
    ovr = K_IDX - K_CHUNKS
    n_ovr = NW * ovr * CHUNK
    ovr_src = ((jnp.arange(n_ovr, dtype=jnp.int32) * 89) % N_NODES).reshape(
        NW, ovr, CHUNK)
    ovr_dst = (N_NODES + jnp.arange(n_ovr, dtype=jnp.int32) % JUNK_ROWS
               ).reshape(NW, ovr, CHUNK)
    src3 = jnp.concatenate(
        [jnp.concatenate([src, pad_src]).reshape(NW, K_CHUNKS, CHUNK),
         ovr_src], axis=1)
    dst3 = jnp.concatenate(
        [jnp.concatenate([dst, pad_dst]).reshape(NW, K_CHUNKS, CHUNK),
         ovr_dst], axis=1)
    parts = _sc_segment_sum(x, src3, dst3)
    return _combine(parts, W)

# --- scband reference (transcript-rebuilt; emitter-appended) ---
"""Pipeline reference for scband-gcn-13632226197527 (READ-ONLY COPY).

The authoritative reference and input builder live on the scoring server;
editing this copy changes nothing except your own understanding.
"""

import jax, jax.numpy as jnp
import numpy as np

N_NODES = 10000
N_EDGES = 320000
D_FEAT = 128

def setup_inputs(seed: int = 0) -> dict:
    key = jax.random.key(seed)
    k1, k2, k3 = jax.random.split(key, 3)
    x = jax.random.normal(k1, (N_NODES, D_FEAT), dtype=jnp.float32)
    edge_index = jax.random.randint(k2, (2, N_EDGES), 0, N_NODES).astype(jnp.int32)
    # learned parameter: self.weight = torch.rand(in_feats, out_feats) with in_feats=1, out_feats=128
    W = jax.random.uniform(k3, (1, D_FEAT), dtype=jnp.float32)
    return {"x": x, "edge_index": edge_index, "W": W}

def reference(x, edge_index, W):
    # gspmmv(g, input, ...): generalized SpMM over graph g -- copy src features along
    # edges and sum-reduce into dst nodes (copy_u + sum aggregation).
    src = edge_index[0]
    dst = edge_index[1]
    msgs = jnp.take(x, src, axis=0)                     # gather  [E, D]
    res = jax.ops.segment_sum(msgs, dst, num_segments=N_NODES)  # scatter-add [N, D]
    # res * self.weight : elementwise broadcast multiply with [1, D] weight
    res = res * W
    return res

if __name__ == "__main__":
    import jax
    _d = setup_inputs()
    print(jax.jit(kernel)(*tuple(_d.values())))

</pallas_src>

<mosaic_0001>
#map = affine_map<(d0, d1) -> (0, 0)>
#map1 = affine_map<(d0, d1) -> (0, 0, 0)>
module attributes {stable_mosaic.version = 14 : i64} {
  func.func @k(%arg0: i32, %arg1: i32, %arg2: memref<10000x128xf32, #tpu.memory_space<hbm>>, %arg3: memref<32x88x128xi32, #tpu.memory_space<hbm>>, %arg4: memref<32x88x128xi32, #tpu.memory_space<hbm>>, %arg5: memref<2x10240x128xf32, #tpu.memory_space<hbm>>, %arg6: memref<88x128xi32, #tpu.memory_space<vmem>>, %arg7: memref<4x128xi32, #tpu.memory_space<vmem>>, %arg8: memref<4x128xi32, #tpu.memory_space<vmem>>, %arg9: memref<128x128xf32, #tpu.memory_space<vmem>>, %arg10: memref<128x128xf32, #tpu.memory_space<vmem>>, %arg11: memref<10240x128xf32, #tpu.memory_space<vmem_shared>>, %arg12: memref<!tpu.dma_semaphore, #tpu.memory_space<semaphore_mem>>, %arg13: memref<!tpu.dma_semaphore, #tpu.memory_space<semaphore_mem>>, %arg14: memref<!tpu.dma_semaphore, #tpu.memory_space<semaphore_mem>>, %arg15: memref<!tpu.dma_semaphore, #tpu.memory_space<semaphore_mem>>) attributes {dimension_semantics = [#tpu.dimension_semantics<core_parallel>, #tpu.dimension_semantics<subcore_parallel>], iteration_bounds = array<i64: 2, 16>, scalar_prefetch = 0 : i64, scratch_operands = 10 : i64, tpu.core_type = #tpu.core_type<sc_vector_subcore>, window_params = [{transform_indices = #map}, {transform_indices = #map1}, {transform_indices = #map1}, {transform_indices = #map1}]} {
    %mul3A = arith.constant 2 : i32
    %mul3A_0 = arith.muli %arg1, %mul3A : i32
    %add3A = arith.addi %mul3A_0, %arg0 : i32
    %dma_start3A = arith.constant 0 : i32
    %dma_start3A_1 = arith.constant 0 : i32
    %dma_start3A_2 = tpu.memref_slice %arg3[%add3A, %dma_start3A, %dma_start3A_1] : memref<32x88x128xi32, #tpu.memory_space<hbm>> -> memref<1x88x128xi32, #tpu.memory_space<hbm>>
    %dma_start3A_3 = tpu.memref_squeeze %dma_start3A_2 : memref<1x88x128xi32, #tpu.memory_space<hbm>> -> memref<88x128xi32, #tpu.memory_space<hbm>>
    %dma_start3A_4 = arith.constant 0 : i32
    %dma_start3A_5 = arith.constant 0 : i32
    %dma_start3A_6 = tpu.memref_slice %arg3[%add3A, %dma_start3A_4, %dma_start3A_5] : memref<32x88x128xi32, #tpu.memory_space<hbm>> -> memref<1x88x128xi32, #tpu.memory_space<hbm>>
    %dma_start3A_7 = tpu.memref_squeeze %dma_start3A_6 : memref<1x88x128xi32, #tpu.memory_space<hbm>> -> memref<88x128xi32, #tpu.memory_space<hbm>>
    tpu.enqueue_dma source(%dma_start3A_7 : memref<88x128xi32, #tpu.memory_space<hbm>>) target(%arg6 : memref<88x128xi32, #tpu.memory_space<vmem>>) target_semaphore(%arg12 : memref<!tpu.dma_semaphore, #tpu.memory_space<semaphore_mem>>)
    %dma_start3A_8 = arith.constant 0 : i32
    %dma_start3A_9 = arith.constant 0 : i32
    %dma_start3A_10 = tpu.memref_slice %arg4[%add3A, %dma_start3A_8, %dma_start3A_9] : memref<32x88x128xi32, #tpu.memory_space<hbm>> -> memref<1x4x128xi32, #tpu.memory_space<hbm>>
    %dma_start3A_11 = tpu.memref_squeeze %dma_start3A_10 : memref<1x4x128xi32, #tpu.memory_space<hbm>> -> memref<4x128xi32, #tpu.memory_space<hbm>>
    %dma_start3A_12 = arith.constant 0 : i32
    %dma_start3A_13 = arith.constant 0 : i32
    %dma_start3A_14 = tpu.memref_slice %arg4[%add3A, %dma_start3A_12, %dma_start3A_13] : memref<32x88x128xi32, #tpu.memory_space<hbm>> -> memref<1x4x128xi32, #tpu.memory_space<hbm>>
    %dma_start3A_15 = tpu.memref_squeeze %dma_start3A_14 : memref<1x4x128xi32, #tpu.memory_space<hbm>> -> memref<4x128xi32, #tpu.memory_space<hbm>>
    tpu.enqueue_dma source(%dma_start3A_15 : memref<4x128xi32, #tpu.memory_space<hbm>>) target(%arg7 : memref<4x128xi32, #tpu.memory_space<vmem>>) target_semaphore(%arg14 : memref<!tpu.dma_semaphore, #tpu.memory_space<semaphore_mem>>)
    %dma_start3A_16 = arith.constant 4 : i32
    %dma_start3A_17 = arith.constant 0 : i32
    %dma_start3A_18 = tpu.memref_slice %arg4[%add3A, %dma_start3A_16, %dma_start3A_17] : memref<32x88x128xi32, #tpu.memory_space<hbm>> -> memref<1x4x128xi32, #tpu.memory_space<hbm>>
    %dma_start3A_19 = tpu.memref_squeeze %dma_start3A_18 : memref<1x4x128xi32, #tpu.memory_space<hbm>> -> memref<4x128xi32, #tpu.memory_space<hbm>>
    %dma_start3A_20 = arith.constant 4 : i32
    %dma_start3A_21 = arith.constant 0 : i32
    %dma_start3A_22 = tpu.memref_slice %arg4[%add3A, %dma_start3A_20, %dma_start3A_21] : memref<32x88x128xi32, #tpu.memory_space<hbm>> -> memref<1x4x128xi32, #tpu.memory_space<hbm>>
    %dma_start3A_23 = tpu.memref_squeeze %dma_start3A_22 : memref<1x4x128xi32, #tpu.memory_space<hbm>> -> memref<4x128xi32, #tpu.memory_space<hbm>>
    tpu.enqueue_dma source(%dma_start3A_23 : memref<4x128xi32, #tpu.memory_space<hbm>>) target(%arg8 : memref<4x128xi32, #tpu.memory_space<vmem>>) target_semaphore(%arg15 : memref<!tpu.dma_semaphore, #tpu.memory_space<semaphore_mem>>)
    %scan3A = arith.constant 0 : i32
    %scan3A_24 = arith.constant 128 : i32
    %scan3A_25 = arith.addi %scan3A, %scan3A_24 : i32
    %scan3A_26 = arith.constant 1 : i32
    scf.for %scan3A_83 = %scan3A to %scan3A_25 step %scan3A_26  : i32 {
      %mul3A_84 = arith.constant 1 : i32
      %mul3A_85 = arith.muli %scan3A_83, %mul3A_84 : i32
      %add3A_86 = arith.constant 0 : i32
      %add3A_87 = arith.addi %add3A_86, %mul3A_85 : i32
      %scan3A_88 = arith.constant 0 : i32
      %scan3A_89 = arith.constant 8 : i32
      %scan3A_90 = arith.addi %scan3A_88, %scan3A_89 : i32
      %scan3A_91 = arith.constant 1 : i32
      scf.for %scan3A_93 = %scan3A_88 to %scan3A_90 step %scan3A_91  : i32 {
        %mul3A_94 = arith.constant 16 : i32
        %mul3A_95 = arith.muli %scan3A_93, %mul3A_94 : i32
        %add3A_96 = arith.constant 0 : i32
        %add3A_97 = arith.addi %add3A_96, %mul3A_95 : i32
        %broadcast_in_dim3A = arith.constant 0.000000e+00 : f32
        %broadcast_in_dim3A_98 = vector.broadcast %broadcast_in_dim3A : f32 to vector<1x16xf32>
        %swap3A = arith.index_cast %add3A_87 : i32 to index
        %swap3A_99 = arith.index_cast %add3A_97 : i32 to index
        %swap3A_100 = tpu.vector_load %arg9[%swap3A, %swap3A_99] {strides = array<i32>} : memref<128x128xf32, #tpu.memory_space<vmem>>, vector<1x16xf32>,
        %swap3A_101 = vector.shape_cast %swap3A_100 : vector<1x16xf32> to vector<1x16xf32>
        %swap3A_102 = vector.shape_cast %broadcast_in_dim3A_98 : vector<1x16xf32> to vector<1x16xf32>
        tpu.vector_store %arg9[%swap3A, %swap3A_99], %swap3A_102 {strides = array<i32>} : memref<128x128xf32, #tpu.memory_space<vmem>>, vector<1x16xf32>,
      }
      %scan3A_92 = arith.constant 8 : i32
    }
    %scan3A_27 = arith.constant 128 : i32
    %mul3A_28 = arith.constant 640 : i32
    %mul3A_29 = arith.muli %arg1, %mul3A_28 : i32
    %add3A_30 = arith.constant 0 : i32
    %add3A_31 = arith.addi %mul3A_29, %add3A_30 : i32
    "tpu.region"() ({
      %run_scoped3A = tpu.sem_alloc : memref<!tpu.dma_semaphore, #tpu.memory_space<semaphore_mem>>
      %dma_start3A_83 = arith.constant 0 : i32
      %dma_start3A_84 = tpu.memref_slice %arg11[%add3A_31, %dma_start3A_83] : memref<10240x128xf32, #tpu.memory_space<vmem_shared>> -> memref<128x128xf32, #tpu.memory_space<vmem_shared>>
      %dma_start3A_85 = arith.constant 0 : i32
      %dma_start3A_86 = tpu.memref_slice %arg11[%add3A_31, %dma_start3A_85] : memref<10240x128xf32, #tpu.memory_space<vmem_shared>> -> memref<128x128xf32, #tpu.memory_space<vmem_shared>>
      tpu.enqueue_dma source(%arg9 : memref<128x128xf32, #tpu.memory_space<vmem>>) target(%dma_start3A_86 : memref<128x128xf32, #tpu.memory_space<vmem_shared>>) target_semaphore(%run_scoped3A : memref<!tpu.dma_semaphore, #tpu.memory_space<semaphore_mem>>)
      %dma_wait3A_87 = arith.constant 0 : i32
      %dma_wait3A_88 = tpu.memref_slice %arg11[%add3A_31, %dma_wait3A_87] : memref<10240x128xf32, #tpu.memory_space<vmem_shared>> -> memref<128x128xf32, #tpu.memory_space<vmem_shared>>
      %dma_wait3A_89 = arith.constant 0 : i32
      %dma_wait3A_90 = tpu.memref_slice %arg11[%add3A_31, %dma_wait3A_89] : memref<10240x128xf32, #tpu.memory_space<vmem_shared>> -> memref<128x128xf32, #tpu.memory_space<vmem_shared>>
      tpu.wait_dma2 semaphore(%run_scoped3A : memref<!tpu.dma_semaphore, #tpu.memory_space<semaphore_mem>>) src(%arg9 : memref<128x128xf32, #tpu.memory_space<vmem>>) dst(%dma_wait3A_90 : memref<128x128xf32, #tpu.memory_space<vmem_shared>>)
      tpu.yield
    }) : () -> ()
    %add3A_32 = arith.constant 128 : i32
    %add3A_33 = arith.addi %mul3A_29, %add3A_32 : i32
    "tpu.region"() ({
      %run_scoped3A = tpu.sem_alloc : memref<!tpu.dma_semaphore, #tpu.memory_space<semaphore_mem>>
      %dma_start3A_83 = arith.constant 0 : i32
      %dma_start3A_84 = tpu.memref_slice %arg11[%add3A_33, %dma_start3A_83] : memref<10240x128xf32, #tpu.memory_space<vmem_shared>> -> memref<128x128xf32, #tpu.memory_space<vmem_shared>>
      %dma_start3A_85 = arith.constant 0 : i32
      %dma_start3A_86 = tpu.memref_slice %arg11[%add3A_33, %dma_start3A_85] : memref<10240x128xf32, #tpu.memory_space<vmem_shared>> -> memref<128x128xf32, #tpu.memory_space<vmem_shared>>
      tpu.enqueue_dma source(%arg9 : memref<128x128xf32, #tpu.memory_space<vmem>>) target(%dma_start3A_86 : memref<128x128xf32, #tpu.memory_space<vmem_shared>>) target_semaphore(%run_scoped3A : memref<!tpu.dma_semaphore, #tpu.memory_space<semaphore_mem>>)
      %dma_wait3A_87 = arith.constant 0 : i32
      %dma_wait3A_88 = tpu.memref_slice %arg11[%add3A_33, %dma_wait3A_87] : memref<10240x128xf32, #tpu.memory_space<vmem_shared>> -> memref<128x128xf32, #tpu.memory_space<vmem_shared>>
      %dma_wait3A_89 = arith.constant 0 : i32
      %dma_wait3A_90 = tpu.memref_slice %arg11[%add3A_33, %dma_wait3A_89] : memref<10240x128xf32, #tpu.memory_space<vmem_shared>> -> memref<128x128xf32, #tpu.memory_space<vmem_shared>>
      tpu.wait_dma2 semaphore(%run_scoped3A : memref<!tpu.dma_semaphore, #tpu.memory_space<semaphore_mem>>) src(%arg9 : memref<128x128xf32, #tpu.memory_space<vmem>>) dst(%dma_wait3A_90 : memref<128x128xf32, #tpu.memory_space<vmem_shared>>)
      tpu.yield
    }) : () -> ()
    %add3A_34 = arith.constant 256 : i32
    %add3A_35 = arith.addi %mul3A_29, %add3A_34 : i32
    "tpu.region"() ({
      %run_scoped3A = tpu.sem_alloc : memref<!tpu.dma_semaphore, #tpu.memory_space<semaphore_mem>>
      %dma_start3A_83 = arith.constant 0 : i32
      %dma_start3A_84 = tpu.memref_slice %arg11[%add3A_35, %dma_start3A_83] : memref<10240x128xf32, #tpu.memory_space<vmem_shared>> -> memref<128x128xf32, #tpu.memory_space<vmem_shared>>
      %dma_start3A_85 = arith.constant 0 : i32
      %dma_start3A_86 = tpu.memref_slice %arg11[%add3A_35, %dma_start3A_85] : memref<10240x128xf32, #tpu.memory_space<vmem_shared>> -> memref<128x128xf32, #tpu.memory_space<vmem_shared>>
      tpu.enqueue_dma source(%arg9 : memref<128x128xf32, #tpu.memory_space<vmem>>) target(%dma_start3A_86 : memref<128x128xf32, #tpu.memory_space<vmem_shared>>) target_semaphore(%run_scoped3A : memref<!tpu.dma_semaphore, #tpu.memory_space<semaphore_mem>>)
      %dma_wait3A_87 = arith.constant 0 : i32
      %dma_wait3A_88 = tpu.memref_slice %arg11[%add3A_35, %dma_wait3A_87] : memref<10240x128xf32, #tpu.memory_space<vmem_shared>> -> memref<128x128xf32, #tpu.memory_space<vmem_shared>>
      %dma_wait3A_89 = arith.constant 0 : i32
      %dma_wait3A_90 = tpu.memref_slice %arg11[%add3A_35, %dma_wait3A_89] : memref<10240x128xf32, #tpu.memory_space<vmem_shared>> -> memref<128x128xf32, #tpu.memory_space<vmem_shared>>
      tpu.wait_dma2 semaphore(%run_scoped3A : memref<!tpu.dma_semaphore, #tpu.memory_space<semaphore_mem>>) src(%arg9 : memref<128x128xf32, #tpu.memory_space<vmem>>) dst(%dma_wait3A_90 : memref<128x128xf32, #tpu.memory_space<vmem_shared>>)
      tpu.yield
    }) : () -> ()
    %add3A_36 = arith.constant 384 : i32
    %add3A_37 = arith.addi %mul3A_29, %add3A_36 : i32
    "tpu.region"() ({
      %run_scoped3A = tpu.sem_alloc : memref<!tpu.dma_semaphore, #tpu.memory_space<semaphore_mem>>
      %dma_start3A_83 = arith.constant 0 : i32
      %dma_start3A_84 = tpu.memref_slice %arg11[%add3A_37, %dma_start3A_83] : memref<10240x128xf32, #tpu.memory_space<vmem_shared>> -> memref<128x128xf32, #tpu.memory_space<vmem_shared>>
      %dma_start3A_85 = arith.constant 0 : i32
      %dma_start3A_86 = tpu.memref_slice %arg11[%add3A_37, %dma_start3A_85] : memref<10240x128xf32, #tpu.memory_space<vmem_shared>> -> memref<128x128xf32, #tpu.memory_space<vmem_shared>>
      tpu.enqueue_dma source(%arg9 : memref<128x128xf32, #tpu.memory_space<vmem>>) target(%dma_start3A_86 : memref<128x128xf32, #tpu.memory_space<vmem_shared>>) target_semaphore(%run_scoped3A : memref<!tpu.dma_semaphore, #tpu.memory_space<semaphore_mem>>)
      %dma_wait3A_87 = arith.constant 0 : i32
      %dma_wait3A_88 = tpu.memref_slice %arg11[%add3A_37, %dma_wait3A_87] : memref<10240x128xf32, #tpu.memory_space<vmem_shared>> -> memref<128x128xf32, #tpu.memory_space<vmem_shared>>
      %dma_wait3A_89 = arith.constant 0 : i32
      %dma_wait3A_90 = tpu.memref_slice %arg11[%add3A_37, %dma_wait3A_89] : memref<10240x128xf32, #tpu.memory_space<vmem_shared>> -> memref<128x128xf32, #tpu.memory_space<vmem_shared>>
      tpu.wait_dma2 semaphore(%run_scoped3A : memref<!tpu.dma_semaphore, #tpu.memory_space<semaphore_mem>>) src(%arg9 : memref<128x128xf32, #tpu.memory_space<vmem>>) dst(%dma_wait3A_90 : memref<128x128xf32, #tpu.memory_space<vmem_shared>>)
      tpu.yield
    }) : () -> ()
    %add3A_38 = arith.constant 512 : i32
    %add3A_39 = arith.addi %mul3A_29, %add3A_38 : i32
    "tpu.region"() ({
      %run_scoped3A = tpu.sem_alloc : memref<!tpu.dma_semaphore, #tpu.memory_space<semaphore_mem>>
      %dma_start3A_83 = arith.constant 0 : i32
      %dma_start3A_84 = tpu.memref_slice %arg11[%add3A_39, %dma_start3A_83] : memref<10240x128xf32, #tpu.memory_space<vmem_shared>> -> memref<128x128xf32, #tpu.memory_space<vmem_shared>>
      %dma_start3A_85 = arith.constant 0 : i32
      %dma_start3A_86 = tpu.memref_slice %arg11[%add3A_39, %dma_start3A_85] : memref<10240x128xf32, #tpu.memory_space<vmem_shared>> -> memref<128x128xf32, #tpu.memory_space<vmem_shared>>
      tpu.enqueue_dma source(%arg9 : memref<128x128xf32, #tpu.memory_space<vmem>>) target(%dma_start3A_86 : memref<128x128xf32, #tpu.memory_space<vmem_shared>>) target_semaphore(%run_scoped3A : memref<!tpu.dma_semaphore, #tpu.memory_space<semaphore_mem>>)
      %dma_wait3A_87 = arith.constant 0 : i32
      %dma_wait3A_88 = tpu.memref_slice %arg11[%add3A_39, %dma_wait3A_87] : memref<10240x128xf32, #tpu.memory_space<vmem_shared>> -> memref<128x128xf32, #tpu.memory_space<vmem_shared>>
      %dma_wait3A_89 = arith.constant 0 : i32
      %dma_wait3A_90 = tpu.memref_slice %arg11[%add3A_39, %dma_wait3A_89] : memref<10240x128xf32, #tpu.memory_space<vmem_shared>> -> memref<128x128xf32, #tpu.memory_space<vmem_shared>>
      tpu.wait_dma2 semaphore(%run_scoped3A : memref<!tpu.dma_semaphore, #tpu.memory_space<semaphore_mem>>) src(%arg9 : memref<128x128xf32, #tpu.memory_space<vmem>>) dst(%dma_wait3A_90 : memref<128x128xf32, #tpu.memory_space<vmem_shared>>)
      tpu.yield
    }) : () -> ()
    %dma_wait3A = arith.constant 0 : i32
    %dma_wait3A_40 = arith.constant 0 : i32
    %dma_wait3A_41 = tpu.memref_slice %arg3[%add3A, %dma_wait3A, %dma_wait3A_40] : memref<32x88x128xi32, #tpu.memory_space<hbm>> -> memref<1x88x128xi32, #tpu.memory_space<hbm>>
    %dma_wait3A_42 = tpu.memref_squeeze %dma_wait3A_41 : memref<1x88x128xi32, #tpu.memory_space<hbm>> -> memref<88x128xi32, #tpu.memory_space<hbm>>
    %dma_wait3A_43 = arith.constant 0 : i32
    %dma_wait3A_44 = arith.constant 0 : i32
    %dma_wait3A_45 = tpu.memref_slice %arg3[%add3A, %dma_wait3A_43, %dma_wait3A_44] : memref<32x88x128xi32, #tpu.memory_space<hbm>> -> memref<1x88x128xi32, #tpu.memory_space<hbm>>
    %dma_wait3A_46 = tpu.memref_squeeze %dma_wait3A_45 : memref<1x88x128xi32, #tpu.memory_space<hbm>> -> memref<88x128xi32, #tpu.memory_space<hbm>>
    tpu.wait_dma2 semaphore(%arg12 : memref<!tpu.dma_semaphore, #tpu.memory_space<semaphore_mem>>) src(%dma_wait3A_46 : memref<88x128xi32, #tpu.memory_space<hbm>>) dst(%arg6 : memref<88x128xi32, #tpu.memory_space<vmem>>)
    %barrier3A = arith.constant 0 : index
    tpu.barrier barrier_id(%barrier3A)
    %dma_start3A_47 = arith.constant 0 : i32
    %dma_start3A_48 = arith.constant 0 : i32
    %dma_start3A_49 = tpu.memref_slice %arg6[%dma_start3A_47, %dma_start3A_48] : memref<88x128xi32, #tpu.memory_space<vmem>> -> memref<1x128xi32, #tpu.memory_space<vmem>>
    %dma_start3A_50 = tpu.memref_squeeze %dma_start3A_49 : memref<1x128xi32, #tpu.memory_space<vmem>> -> memref<128xi32, #tpu.memory_space<vmem>>
    %dma_start3A_51 = arith.constant 0 : i32
    %dma_start3A_52 = arith.constant 0 : i32
    %dma_start3A_53 = tpu.memref_slice %arg2[%dma_start3A_51, %dma_start3A_52] : memref<10000x128xf32, #tpu.memory_space<hbm>> -> memref<10000x128xf32, #tpu.memory_space<hbm>>
    tpu.enqueue_indirect_dma source(%dma_start3A_53 : memref<10000x128xf32, #tpu.memory_space<hbm>>) target(%arg9 : memref<128x128xf32, #tpu.memory_space<vmem>>) offsets(%dma_start3A_50 : memref<128xi32, #tpu.memory_space<vmem>>) semaphore(%arg12 : memref<!tpu.dma_semaphore, #tpu.memory_space<semaphore_mem>>)
    %scan3A_54 = arith.constant 0 : i32
    %scan3A_55 = arith.constant 10 : i32
    %scan3A_56 = arith.addi %scan3A_54, %scan3A_55 : i32
    %scan3A_57 = arith.constant 1 : i32
    scf.for %scan3A_83 = %scan3A_54 to %scan3A_56 step %scan3A_57  : i32 {
      %mul3A_84 = arith.constant 2 : i32
      %mul3A_85 = arith.muli %scan3A_83, %mul3A_84 : i32
      %add3A_86 = arith.constant 0 : i32
      %add3A_87 = arith.addi %add3A_86, %mul3A_85 : i32
      %add3A_88 = arith.constant 0 : i32
      %add3A_89 = arith.addi %add3A_87, %add3A_88 : i32
      %mul3A_90 = arith.constant 4 : i32
      %mul3A_91 = arith.muli %add3A_89, %mul3A_90 : i32
      %dma_wait3A_92 = arith.constant 0 : i32
      %dma_wait3A_93 = arith.constant 0 : i32
      %dma_wait3A_94 = tpu.memref_slice %arg4[%add3A, %dma_wait3A_92, %dma_wait3A_93] : memref<32x88x128xi32, #tpu.memory_space<hbm>> -> memref<1x4x128xi32, #tpu.memory_space<hbm>>
      %dma_wait3A_95 = tpu.memref_squeeze %dma_wait3A_94 : memref<1x4x128xi32, #tpu.memory_space<hbm>> -> memref<4x128xi32, #tpu.memory_space<hbm>>
      %dma_wait3A_96 = arith.constant 0 : i32
      %dma_wait3A_97 = arith.constant 0 : i32
      %dma_wait3A_98 = tpu.memref_slice %arg4[%add3A, %dma_wait3A_96, %dma_wait3A_97] : memref<32x88x128xi32, #tpu.memory_space<hbm>> -> memref<1x4x128xi32, #tpu.memory_space<hbm>>
      %dma_wait3A_99 = tpu.memref_squeeze %dma_wait3A_98 : memref<1x4x128xi32, #tpu.memory_space<hbm>> -> memref<4x128xi32, #tpu.memory_space<hbm>>
      tpu.wait_dma2 semaphore(%arg14 : memref<!tpu.dma_semaphore, #tpu.memory_space<semaphore_mem>>) src(%dma_wait3A_99 : memref<4x128xi32, #tpu.memory_space<hbm>>) dst(%arg7 : memref<4x128xi32, #tpu.memory_space<vmem>>)
      %add3A_100 = arith.constant 0 : i32
      %add3A_101 = arith.addi %mul3A_91, %add3A_100 : i32
      %add3A_102 = arith.constant 1 : i32
      %add3A_103 = arith.addi %add3A_101, %add3A_102 : i32
      %dma_start3A_104 = arith.constant 0 : i32
      %dma_start3A_105 = tpu.memref_slice %arg6[%add3A_103, %dma_start3A_104] : memref<88x128xi32, #tpu.memory_space<vmem>> -> memref<1x128xi32, #tpu.memory_space<vmem>>
      %dma_start3A_106 = tpu.memref_squeeze %dma_start3A_105 : memref<1x128xi32, #tpu.memory_space<vmem>> -> memref<128xi32, #tpu.memory_space<vmem>>
      %dma_start3A_107 = arith.constant 0 : i32
      %dma_start3A_108 = arith.constant 0 : i32
      %dma_start3A_109 = tpu.memref_slice %arg2[%dma_start3A_107, %dma_start3A_108] : memref<10000x128xf32, #tpu.memory_space<hbm>> -> memref<10000x128xf32, #tpu.memory_space<hbm>>
      tpu.enqueue_indirect_dma source(%dma_start3A_109 : memref<10000x128xf32, #tpu.memory_space<hbm>>) target(%arg10 : memref<128x128xf32, #tpu.memory_space<vmem>>) offsets(%dma_start3A_106 : memref<128xi32, #tpu.memory_space<vmem>>) semaphore(%arg13 : memref<!tpu.dma_semaphore, #tpu.memory_space<semaphore_mem>>)
      %dma_wait3A_110 = arith.constant 0 : i32
      %dma_wait3A_111 = tpu.memref_slice %arg6[%add3A_101, %dma_wait3A_110] : memref<88x128xi32, #tpu.memory_space<vmem>> -> memref<1x128xi32, #tpu.memory_space<vmem>>
      %dma_wait3A_112 = tpu.memref_squeeze %dma_wait3A_111 : memref<1x128xi32, #tpu.memory_space<vmem>> -> memref<128xi32, #tpu.memory_space<vmem>>
      %dma_wait3A_113 = arith.constant 0 : i32
      %dma_wait3A_114 = arith.constant 0 : i32
      %dma_wait3A_115 = tpu.memref_slice %arg2[%dma_wait3A_113, %dma_wait3A_114] : memref<10000x128xf32, #tpu.memory_space<hbm>> -> memref<10000x128xf32, #tpu.memory_space<hbm>>
      tpu.wait_indirect_dma semaphore(%arg12 : memref<!tpu.dma_semaphore, #tpu.memory_space<semaphore_mem>>) src(%dma_wait3A_115 : memref<10000x128xf32, #tpu.memory_space<hbm>>) dst(%arg9 : memref<128x128xf32, #tpu.memory_space<vmem>>)
      %run_scoped3A = arith.constant 0 : i32
      "tpu.region"() ({
        %run_scoped3A_267 = tpu.sem_alloc : memref<!tpu.dma_semaphore, #tpu.memory_space<semaphore_mem>>
        %dma_start3A_268 = arith.constant 0 : i32
        %dma_start3A_269 = tpu.memref_slice %arg7[%run_scoped3A, %dma_start3A_268] : memref<4x128xi32, #tpu.memory_space<vmem>> -> memref<1x128xi32, #tpu.memory_space<vmem>>
        %dma_start3A_270 = tpu.memref_squeeze %dma_start3A_269 : memref<1x128xi32, #tpu.memory_space<vmem>> -> memref<128xi32, #tpu.memory_space<vmem>>
        %dma_start3A_271 = arith.constant 0 : i32
        %dma_start3A_272 = arith.constant 0 : i32
        %dma_start3A_273 = tpu.memref_slice %arg11[%dma_start3A_271, %dma_start3A_272] : memref<10240x128xf32, #tpu.memory_space<vmem_shared>> -> memref<10240x128xf32, #tpu.memory_space<vmem_shared>>
        tpu.enqueue_indirect_dma source(%arg9 : memref<128x128xf32, #tpu.memory_space<vmem>>) target(%dma_start3A_273 : memref<10240x128xf32, #tpu.memory_space<vmem_shared>>) offsets(%dma_start3A_270 : memref<128xi32, #tpu.memory_space<vmem>>) semaphore(%run_scoped3A_267 : memref<!tpu.dma_semaphore, #tpu.memory_space<semaphore_mem>>) {add = true}
        %dma_wait3A_274 = arith.constant 0 : i32
        %dma_wait3A_275 = tpu.memref_slice %arg7[%run_scoped3A, %dma_wait3A_274] : memref<4x128xi32, #tpu.memory_space<vmem>> -> memref<1x128xi32, #tpu.memory_space<vmem>>
        %dma_wait3A_276 = tpu.memref_squeeze %dma_wait3A_275 : memref<1x128xi32, #tpu.memory_space<vmem>> -> memref<128xi32, #tpu.memory_space<vmem>>
        %dma_wait3A_277 = arith.constant 0 : i32
        %dma_wait3A_278 = arith.constant 0 : i32
        %dma_wait3A_279 = tpu.memref_slice %arg11[%dma_wait3A_277, %dma_wait3A_278] : memref<10240x128xf32, #tpu.memory_space<vmem_shared>> -> memref<10240x128xf32, #tpu.memory_space<vmem_shared>>
        tpu.wait_indirect_dma semaphore(%run_scoped3A_267 : memref<!tpu.dma_semaphore, #tpu.memory_space<semaphore_mem>>) src(%arg9 : memref<128x128xf32, #tpu.memory_space<vmem>>) dst(%dma_wait3A_279 : memref<10240x128xf32, #tpu.memory_space<vmem_shared>>)
        tpu.yield
      }) : () -> ()
      %add3A_116 = arith.constant 1 : i32
      %add3A_117 = arith.addi %mul3A_91, %add3A_116 : i32
      %add3A_118 = arith.constant 1 : i32
      %add3A_119 = arith.addi %add3A_117, %add3A_118 : i32
      %dma_start3A_120 = arith.constant 0 : i32
      %dma_start3A_121 = tpu.memref_slice %arg6[%add3A_119, %dma_start3A_120] : memref<88x128xi32, #tpu.memory_space<vmem>> -> memref<1x128xi32, #tpu.memory_space<vmem>>
      %dma_start3A_122 = tpu.memref_squeeze %dma_start3A_121 : memref<1x128xi32, #tpu.memory_space<vmem>> -> memref<128xi32, #tpu.memory_space<vmem>>
      %dma_start3A_123 = arith.constant 0 : i32
      %dma_start3A_124 = arith.constant 0 : i32
      %dma_start3A_125 = tpu.memref_slice %arg2[%dma_start3A_123, %dma_start3A_124] : memref<10000x128xf32, #tpu.memory_space<hbm>> -> memref<10000x128xf32, #tpu.memory_space<hbm>>
      tpu.enqueue_indirect_dma source(%dma_start3A_125 : memref<10000x128xf32, #tpu.memory_space<hbm>>) target(%arg9 : memref<128x128xf32, #tpu.memory_space<vmem>>) offsets(%dma_start3A_122 : memref<128xi32, #tpu.memory_space<vmem>>) semaphore(%arg12 : memref<!tpu.dma_semaphore, #tpu.memory_space<semaphore_mem>>)
      %dma_wait3A_126 = arith.constant 0 : i32
      %dma_wait3A_127 = tpu.memref_slice %arg6[%add3A_117, %dma_wait3A_126] : memref<88x128xi32, #tpu.memory_space<vmem>> -> memref<1x128xi32, #tpu.memory_space<vmem>>
      %dma_wait3A_128 = tpu.memref_squeeze %dma_wait3A_127 : memref<1x128xi32, #tpu.memory_space<vmem>> -> memref<128xi32, #tpu.memory_space<vmem>>
      %dma_wait3A_129 = arith.constant 0 : i32
      %dma_wait3A_130 = arith.constant 0 : i32
      %dma_wait3A_131 = tpu.memref_slice %arg2[%dma_wait3A_129, %dma_wait3A_130] : memref<10000x128xf32, #tpu.memory_space<hbm>> -> memref<10000x128xf32, #tpu.memory_space<hbm>>
      tpu.wait_indirect_dma semaphore(%arg13 : memref<!tpu.dma_semaphore, #tpu.memory_space<semaphore_mem>>) src(%dma_wait3A_131 : memref<10000x128xf32, #tpu.memory_space<hbm>>) dst(%arg10 : memref<128x128xf32, #tpu.memory_space<vmem>>)
      %run_scoped3A_132 = arith.constant 1 : i32
      "tpu.region"() ({
        %run_scoped3A_267 = tpu.sem_alloc : memref<!tpu.dma_semaphore, #tpu.memory_space<semaphore_mem>>
        %dma_start3A_268 = arith.constant 0 : i32
        %dma_start3A_269 = tpu.memref_slice %arg7[%run_scoped3A_132, %dma_start3A_268] : memref<4x128xi32, #tpu.memory_space<vmem>> -> memref<1x128xi32, #tpu.memory_space<vmem>>
        %dma_start3A_270 = tpu.memref_squeeze %dma_start3A_269 : memref<1x128xi32, #tpu.memory_space<vmem>> -> memref<128xi32, #tpu.memory_space<vmem>>
        %dma_start3A_271 = arith.constant 0 : i32
        %dma_start3A_272 = arith.constant 0 : i32
        %dma_start3A_273 = tpu.memref_slice %arg11[%dma_start3A_271, %dma_start3A_272] : memref<10240x128xf32, #tpu.memory_space<vmem_shared>> -> memref<10240x128xf32, #tpu.memory_space<vmem_shared>>
        tpu.enqueue_indirect_dma source(%arg10 : memref<128x128xf32, #tpu.memory_space<vmem>>) target(%dma_start3A_273 : memref<10240x128xf32, #tpu.memory_space<vmem_shared>>) offsets(%dma_start3A_270 : memref<128xi32, #tpu.memory_space<vmem>>) semaphore(%run_scoped3A_267 : memref<!tpu.dma_semaphore, #tpu.memory_space<semaphore_mem>>) {add = true}
        %dma_wait3A_274 = arith.constant 0 : i32
        %dma_wait3A_275 = tpu.memref_slice %arg7[%run_scoped3A_132, %dma_wait3A_274] : memref<4x128xi32, #tpu.memory_space<vmem>> -> memref<1x128xi32, #tpu.memory_space<vmem>>
        %dma_wait3A_276 = tpu.memref_squeeze %dma_wait3A_275 : memref<1x128xi32, #tpu.memory_space<vmem>> -> memref<128xi32, #tpu.memory_space<vmem>>
        %dma_wait3A_277 = arith.constant 0 : i32
        %dma_wait3A_278 = arith.constant 0 : i32
        %dma_wait3A_279 = tpu.memref_slice %arg11[%dma_wait3A_277, %dma_wait3A_278] : memref<10240x128xf32, #tpu.memory_space<vmem_shared>> -> memref<10240x128xf32, #tpu.memory_space<vmem_shared>>
        tpu.wait_indirect_dma semaphore(%run_scoped3A_267 : memref<!tpu.dma_semaphore, #tpu.memory_space<semaphore_mem>>) src(%arg10 : memref<128x128xf32, #tpu.memory_space<vmem>>) dst(%dma_wait3A_279 : memref<10240x128xf32, #tpu.memory_space<vmem_shared>>)
        tpu.yield
      }) : () -> ()
      %add3A_133 = arith.constant 2 : i32
      %add3A_134 = arith.addi %mul3A_91, %add3A_133 : i32
      %add3A_135 = arith.constant 1 : i32
      %add3A_136 = arith.addi %add3A_134, %add3A_135 : i32
      %dma_start3A_137 = arith.constant 0 : i32
      %dma_start3A_138 = tpu.memref_slice %arg6[%add3A_136, %dma_start3A_137] : memref<88x128xi32, #tpu.memory_space<vmem>> -> memref<1x128xi32, #tpu.memory_space<vmem>>
      %dma_start3A_139 = tpu.memref_squeeze %dma_start3A_138 : memref<1x128xi32, #tpu.memory_space<vmem>> -> memref<128xi32, #tpu.memory_space<vmem>>
      %dma_start3A_140 = arith.constant 0 : i32
      %dma_start3A_141 = arith.constant 0 : i32
      %dma_start3A_142 = tpu.memref_slice %arg2[%dma_start3A_140, %dma_start3A_141] : memref<10000x128xf32, #tpu.memory_space<hbm>> -> memref<10000x128xf32, #tpu.memory_space<hbm>>
      tpu.enqueue_indirect_dma source(%dma_start3A_142 : memref<10000x128xf32, #tpu.memory_space<hbm>>) target(%arg10 : memref<128x128xf32, #tpu.memory_space<vmem>>) offsets(%dma_start3A_139 : memref<128xi32, #tpu.memory_space<vmem>>) semaphore(%arg13 : memref<!tpu.dma_semaphore, #tpu.memory_space<semaphore_mem>>)
      %dma_wait3A_143 = arith.constant 0 : i32
      %dma_wait3A_144 = tpu.memref_slice %arg6[%add3A_134, %dma_wait3A_143] : memref<88x128xi32, #tpu.memory_space<vmem>> -> memref<1x128xi32, #tpu.memory_space<vmem>>
      %dma_wait3A_145 = tpu.memref_squeeze %dma_wait3A_144 : memref<1x128xi32, #tpu.memory_space<vmem>> -> memref<128xi32, #tpu.memory_space<vmem>>
      %dma_wait3A_146 = arith.constant 0 : i32
      %dma_wait3A_147 = arith.constant 0 : i32
      %dma_wait3A_148 = tpu.memref_slice %arg2[%dma_wait3A_146, %dma_wait3A_147] : memref<10000x128xf32, #tpu.memory_space<hbm>> -> memref<10000x128xf32, #tpu.memory_space<hbm>>
      tpu.wait_indirect_dma semaphore(%arg12 : memref<!tpu.dma_semaphore, #tpu.memory_space<semaphore_mem>>) src(%dma_wait3A_148 : memref<10000x128xf32, #tpu.memory_space<hbm>>) dst(%arg9 : memref<128x128xf32, #tpu.memory_space<vmem>>)
      %run_scoped3A_149 = arith.constant 2 : i32
      "tpu.region"() ({
        %run_scoped3A_267 = tpu.sem_alloc : memref<!tpu.dma_semaphore, #tpu.memory_space<semaphore_mem>>
        %dma_start3A_268 = arith.constant 0 : i32
        %dma_start3A_269 = tpu.memref_slice %arg7[%run_scoped3A_149, %dma_start3A_268] : memref<4x128xi32, #tpu.memory_space<vmem>> -> memref<1x128xi32, #tpu.memory_space<vmem>>
        %dma_start3A_270 = tpu.memref_squeeze %dma_start3A_269 : memref<1x128xi32, #tpu.memory_space<vmem>> -> memref<128xi32, #tpu.memory_space<vmem>>
        %dma_start3A_271 = arith.constant 0 : i32
        %dma_start3A_272 = arith.constant 0 : i32
        %dma_start3A_273 = tpu.memref_slice %arg11[%dma_start3A_271, %dma_start3A_272] : memref<10240x128xf32, #tpu.memory_space<vmem_shared>> -> memref<10240x128xf32, #tpu.memory_space<vmem_shared>>
        tpu.enqueue_indirect_dma source(%arg9 : memref<128x128xf32, #tpu.memory_space<vmem>>) target(%dma_start3A_273 : memref<10240x128xf32, #tpu.memory_space<vmem_shared>>) offsets(%dma_start3A_270 : memref<128xi32, #tpu.memory_space<vmem>>) semaphore(%run_scoped3A_267 : memref<!tpu.dma_semaphore, #tpu.memory_space<semaphore_mem>>) {add = true}
        %dma_wait3A_274 = arith.constant 0 : i32
        %dma_wait3A_275 = tpu.memref_slice %arg7[%run_scoped3A_149, %dma_wait3A_274] : memref<4x128xi32, #tpu.memory_space<vmem>> -> memref<1x128xi32, #tpu.memory_space<vmem>>
        %dma_wait3A_276 = tpu.memref_squeeze %dma_wait3A_275 : memref<1x128xi32, #tpu.memory_space<vmem>> -> memref<128xi32, #tpu.memory_space<vmem>>
        %dma_wait3A_277 = arith.constant 0 : i32
        %dma_wait3A_278 = arith.constant 0 : i32
        %dma_wait3A_279 = tpu.memref_slice %arg11[%dma_wait3A_277, %dma_wait3A_278] : memref<10240x128xf32, #tpu.memory_space<vmem_shared>> -> memref<10240x128xf32, #tpu.memory_space<vmem_shared>>
        tpu.wait_indirect_dma semaphore(%run_scoped3A_267 : memref<!tpu.dma_semaphore, #tpu.memory_space<semaphore_mem>>) src(%arg9 : memref<128x128xf32, #tpu.memory_space<vmem>>) dst(%dma_wait3A_279 : memref<10240x128xf32, #tpu.memory_space<vmem_shared>>)
        tpu.yield
      }) : () -> ()
      %add3A_150 = arith.constant 3 : i32
      %add3A_151 = arith.addi %mul3A_91, %add3A_150 : i32
      %add3A_152 = arith.constant 1 : i32
      %add3A_153 = arith.addi %add3A_151, %add3A_152 : i32
      %dma_start3A_154 = arith.constant 0 : i32
      %dma_start3A_155 = tpu.memref_slice %arg6[%add3A_153, %dma_start3A_154] : memref<88x128xi32, #tpu.memory_space<vmem>> -> memref<1x128xi32, #tpu.memory_space<vmem>>
      %dma_start3A_156 = tpu.memref_squeeze %dma_start3A_155 : memref<1x128xi32, #tpu.memory_space<vmem>> -> memref<128xi32, #tpu.memory_space<vmem>>
      %dma_start3A_157 = arith.constant 0 : i32
      %dma_start3A_158 = arith.constant 0 : i32
      %dma_start3A_159 = tpu.memref_slice %arg2[%dma_start3A_157, %dma_start3A_158] : memref<10000x128xf32, #tpu.memory_space<hbm>> -> memref<10000x128xf32, #tpu.memory_space<hbm>>
      tpu.enqueue_indirect_dma source(%dma_start3A_159 : memref<10000x128xf32, #tpu.memory_space<hbm>>) target(%arg9 : memref<128x128xf32, #tpu.memory_space<vmem>>) offsets(%dma_start3A_156 : memref<128xi32, #tpu.memory_space<vmem>>) semaphore(%arg12 : memref<!tpu.dma_semaphore, #tpu.memory_space<semaphore_mem>>)
      %dma_wait3A_160 = arith.constant 0 : i32
      %dma_wait3A_161 = tpu.memref_slice %arg6[%add3A_151, %dma_wait3A_160] : memref<88x128xi32, #tpu.memory_space<vmem>> -> memref<1x128xi32, #tpu.memory_space<vmem>>
      %dma_wait3A_162 = tpu.memref_squeeze %dma_wait3A_161 : memref<1x128xi32, #tpu.memory_space<vmem>> -> memref<128xi32, #tpu.memory_space<vmem>>
      %dma_wait3A_163 = arith.constant 0 : i32
      %dma_wait3A_164 = arith.constant 0 : i32
      %dma_wait3A_165 = tpu.memref_slice %arg2[%dma_wait3A_163, %dma_wait3A_164] : memref<10000x128xf32, #tpu.memory_space<hbm>> -> memref<10000x128xf32, #tpu.memory_space<hbm>>
      tpu.wait_indirect_dma semaphore(%arg13 : memref<!tpu.dma_semaphore, #tpu.memory_space<semaphore_mem>>) src(%dma_wait3A_165 : memref<10000x128xf32, #tpu.memory_space<hbm>>) dst(%arg10 : memref<128x128xf32, #tpu.memory_space<vmem>>)
      %run_scoped3A_166 = arith.constant 3 : i32
      "tpu.region"() ({
        %run_scoped3A_267 = tpu.sem_alloc : memref<!tpu.dma_semaphore, #tpu.memory_space<semaphore_mem>>
        %dma_start3A_268 = arith.constant 0 : i32
        %dma_start3A_269 = tpu.memref_slice %arg7[%run_scoped3A_166, %dma_start3A_268] : memref<4x128xi32, #tpu.memory_space<vmem>> -> memref<1x128xi32, #tpu.memory_space<vmem>>
        %dma_start3A_270 = tpu.memref_squeeze %dma_start3A_269 : memref<1x128xi32, #tpu.memory_space<vmem>> -> memref<128xi32, #tpu.memory_space<vmem>>
        %dma_start3A_271 = arith.constant 0 : i32
        %dma_start3A_272 = arith.constant 0 : i32
        %dma_start3A_273 = tpu.memref_slice %arg11[%dma_start3A_271, %dma_start3A_272] : memref<10240x128xf32, #tpu.memory_space<vmem_shared>> -> memref<10240x128xf32, #tpu.memory_space<vmem_shared>>
        tpu.enqueue_indirect_dma source(%arg10 : memref<128x128xf32, #tpu.memory_space<vmem>>) target(%dma_start3A_273 : memref<10240x128xf32, #tpu.memory_space<vmem_shared>>) offsets(%dma_start3A_270 : memref<128xi32, #tpu.memory_space<vmem>>) semaphore(%run_scoped3A_267 : memref<!tpu.dma_semaphore, #tpu.memory_space<semaphore_mem>>) {add = true}
        %dma_wait3A_274 = arith.constant 0 : i32
        %dma_wait3A_275 = tpu.memref_slice %arg7[%run_scoped3A_166, %dma_wait3A_274] : memref<4x128xi32, #tpu.memory_space<vmem>> -> memref<1x128xi32, #tpu.memory_space<vmem>>
        %dma_wait3A_276 = tpu.memref_squeeze %dma_wait3A_275 : memref<1x128xi32, #tpu.memory_space<vmem>> -> memref<128xi32, #tpu.memory_space<vmem>>
        %dma_wait3A_277 = arith.constant 0 : i32
        %dma_wait3A_278 = arith.constant 0 : i32
        %dma_wait3A_279 = tpu.memref_slice %arg11[%dma_wait3A_277, %dma_wait3A_278] : memref<10240x128xf32, #tpu.memory_space<vmem_shared>> -> memref<10240x128xf32, #tpu.memory_space<vmem_shared>>
        tpu.wait_indirect_dma semaphore(%run_scoped3A_267 : memref<!tpu.dma_semaphore, #tpu.memory_space<semaphore_mem>>) src(%arg10 : memref<128x128xf32, #tpu.memory_space<vmem>>) dst(%dma_wait3A_279 : memref<10240x128xf32, #tpu.memory_space<vmem_shared>>)
        tpu.yield
      }) : () -> ()
      %add3A_167 = arith.constant 2 : i32
      %add3A_168 = arith.addi %add3A_89, %add3A_167 : i32
      %mul3A_169 = arith.constant 4 : i32
      %mul3A_170 = arith.muli %add3A_168, %mul3A_169 : i32
      %dma_start3A_171 = arith.constant 0 : i32
      %dma_start3A_172 = tpu.memref_slice %arg4[%add3A, %mul3A_170, %dma_start3A_171] : memref<32x88x128xi32, #tpu.memory_space<hbm>> -> memref<1x4x128xi32, #tpu.memory_space<hbm>>
      %dma_start3A_173 = tpu.memref_squeeze %dma_start3A_172 : memref<1x4x128xi32, #tpu.memory_space<hbm>> -> memref<4x128xi32, #tpu.memory_space<hbm>>
      %dma_start3A_174 = arith.constant 0 : i32
      %dma_start3A_175 = tpu.memref_slice %arg4[%add3A, %mul3A_170, %dma_start3A_174] : memref<32x88x128xi32, #tpu.memory_space<hbm>> -> memref<1x4x128xi32, #tpu.memory_space<hbm>>
      %dma_start3A_176 = tpu.memref_squeeze %dma_start3A_175 : memref<1x4x128xi32, #tpu.memory_space<hbm>> -> memref<4x128xi32, #tpu.memory_space<hbm>>
      tpu.enqueue_dma source(%dma_start3A_176 : memref<4x128xi32, #tpu.memory_space<hbm>>) target(%arg7 : memref<4x128xi32, #tpu.memory_space<vmem>>) target_semaphore(%arg14 : memref<!tpu.dma_semaphore, #tpu.memory_space<semaphore_mem>>)
      %add3A_177 = arith.constant 1 : i32
      %add3A_178 = arith.addi %add3A_87, %add3A_177 : i32
      %mul3A_179 = arith.constant 4 : i32
      %mul3A_180 = arith.muli %add3A_178, %mul3A_179 : i32
      %dma_wait3A_181 = arith.constant 0 : i32
      %dma_wait3A_182 = arith.constant 0 : i32
      %dma_wait3A_183 = tpu.memref_slice %arg4[%add3A, %dma_wait3A_181, %dma_wait3A_182] : memref<32x88x128xi32, #tpu.memory_space<hbm>> -> memref<1x4x128xi32, #tpu.memory_space<hbm>>
      %dma_wait3A_184 = tpu.memref_squeeze %dma_wait3A_183 : memref<1x4x128xi32, #tpu.memory_space<hbm>> -> memref<4x128xi32, #tpu.memory_space<hbm>>
      %dma_wait3A_185 = arith.constant 0 : i32
      %dma_wait3A_186 = arith.constant 0 : i32
      %dma_wait3A_187 = tpu.memref_slice %arg4[%add3A, %dma_wait3A_185, %dma_wait3A_186] : memref<32x88x128xi32, #tpu.memory_space<hbm>> -> memref<1x4x128xi32, #tpu.memory_space<hbm>>
      %dma_wait3A_188 = tpu.memref_squeeze %dma_wait3A_187 : memref<1x4x128xi32, #tpu.memory_space<hbm>> -> memref<4x128xi32, #tpu.memory_space<hbm>>
      tpu.wait_dma2 semaphore(%arg15 : memref<!tpu.dma_semaphore, #tpu.memory_space<semaphore_mem>>) src(%dma_wait3A_188 : memref<4x128xi32, #tpu.memory_space<hbm>>) dst(%arg8 : memref<4x128xi32, #tpu.memory_space<vmem>>)
      %add3A_189 = arith.constant 0 : i32
      %add3A_190 = arith.addi %mul3A_180, %add3A_189 : i32
      %add3A_191 = arith.constant 1 : i32
      %add3A_192 = arith.addi %add3A_190, %add3A_191 : i32
      %dma_start3A_193 = arith.constant 0 : i32
      %dma_start3A_194 = tpu.memref_slice %arg6[%add3A_192, %dma_start3A_193] : memref<88x128xi32, #tpu.memory_space<vmem>> -> memref<1x128xi32, #tpu.memory_space<vmem>>
      %dma_start3A_195 = tpu.memref_squeeze %dma_start3A_194 : memref<1x128xi32, #tpu.memory_space<vmem>> -> memref<128xi32, #tpu.memory_space<vmem>>
      %dma_start3A_196 = arith.constant 0 : i32
      %dma_start3A_197 = arith.constant 0 : i32
      %dma_start3A_198 = tpu.memref_slice %arg2[%dma_start3A_196, %dma_start3A_197] : memref<10000x128xf32, #tpu.memory_space<hbm>> -> memref<10000x128xf32, #tpu.memory_space<hbm>>
      tpu.enqueue_indirect_dma source(%dma_start3A_198 : memref<10000x128xf32, #tpu.memory_space<hbm>>) target(%arg10 : memref<128x128xf32, #tpu.memory_space<vmem>>) offsets(%dma_start3A_195 : memref<128xi32, #tpu.memory_space<vmem>>) semaphore(%arg13 : memref<!tpu.dma_semaphore, #tpu.memory_space<semaphore_mem>>)
      %dma_wait3A_199 = arith.constant 0 : i32
      %dma_wait3A_200 = tpu.memref_slice %arg6[%add3A_190, %dma_wait3A_199] : memref<88x128xi32, #tpu.memory_space<vmem>> -> memref<1x128xi32, #tpu.memory_space<vmem>>
      %dma_wait3A_201 = tpu.memref_squeeze %dma_wait3A_200 : memref<1x128xi32, #tpu.memory_space<vmem>> -> memref<128xi32, #tpu.memory_space<vmem>>
      %dma_wait3A_202 = arith.constant 0 : i32
      %dma_wait3A_203 = arith.constant 0 : i32
      %dma_wait3A_204 = tpu.memref_slice %arg2[%dma_wait3A_202, %dma_wait3A_203] : memref<10000x128xf32, #tpu.memory_space<hbm>> -> memref<10000x128xf32, #tpu.memory_space<hbm>>
      tpu.wait_indirect_dma semaphore(%arg12 : memref<!tpu.dma_semaphore, #tpu.memory_space<semaphore_mem>>) src(%dma_wait3A_204 : memref<10000x128xf32, #tpu.memory_space<hbm>>) dst(%arg9 : memref<128x128xf32, #tpu.memory_space<vmem>>)
      %run_scoped3A_205 = arith.constant 0 : i32
      "tpu.region"() ({
        %run_scoped3A_267 = tpu.sem_alloc : memref<!tpu.dma_semaphore, #tpu.memory_space<semaphore_mem>>
        %dma_start3A_268 = arith.constant 0 : i32
        %dma_start3A_269 = tpu.memref_slice %arg8[%run_scoped3A_205, %dma_start3A_268] : memref<4x128xi32, #tpu.memory_space<vmem>> -> memref<1x128xi32, #tpu.memory_space<vmem>>
        %dma_start3A_270 = tpu.memref_squeeze %dma_start3A_269 : memref<1x128xi32, #tpu.memory_space<vmem>> -> memref<128xi32, #tpu.memory_space<vmem>>
        %dma_start3A_271 = arith.constant 0 : i32
        %dma_start3A_272 = arith.constant 0 : i32
        %dma_start3A_273 = tpu.memref_slice %arg11[%dma_start3A_271, %dma_start3A_272] : memref<10240x128xf32, #tpu.memory_space<vmem_shared>> -> memref<10240x128xf32, #tpu.memory_space<vmem_shared>>
        tpu.enqueue_indirect_dma source(%arg9 : memref<128x128xf32, #tpu.memory_space<vmem>>) target(%dma_start3A_273 : memref<10240x128xf32, #tpu.memory_space<vmem_shared>>) offsets(%dma_start3A_270 : memref<128xi32, #tpu.memory_space<vmem>>) semaphore(%run_scoped3A_267 : memref<!tpu.dma_semaphore, #tpu.memory_space<semaphore_mem>>) {add = true}
        %dma_wait3A_274 = arith.constant 0 : i32
        %dma_wait3A_275 = tpu.memref_slice %arg8[%run_scoped3A_205, %dma_wait3A_274] : memref<4x128xi32, #tpu.memory_space<vmem>> -> memref<1x128xi32, #tpu.memory_space<vmem>>
        %dma_wait3A_276 = tpu.memref_squeeze %dma_wait3A_275 : memref<1x128xi32, #tpu.memory_space<vmem>> -> memref<128xi32, #tpu.memory_space<vmem>>
        %dma_wait3A_277 = arith.constant 0 : i32
        %dma_wait3A_278 = arith.constant 0 : i32
        %dma_wait3A_279 = tpu.memref_slice %arg11[%dma_wait3A_277, %dma_wait3A_278] : memref<10240x128xf32, #tpu.memory_space<vmem_shared>> -> memref<10240x128xf32, #tpu.memory_space<vmem_shared>>
        tpu.wait_indirect_dma semaphore(%run_scoped3A_267 : memref<!tpu.dma_semaphore, #tpu.memory_space<semaphore_mem>>) src(%arg9 : memref<128x128xf32, #tpu.memory_space<vmem>>) dst(%dma_wait3A_279 : memref<10240x128xf32, #tpu.memory_space<vmem_shared>>)
        tpu.yield
      }) : () -> ()
      %add3A_206 = arith.constant 1 : i32
      %add3A_207 = arith.addi %mul3A_180, %add3A_206 : i32
      %add3A_208 = arith.constant 1 : i32
      %add3A_209 = arith.addi %add3A_207, %add3A_208 : i32
      %dma_start3A_210 = arith.constant 0 : i32
      %dma_start3A_211 = tpu.memref_slice %arg6[%add3A_209, %dma_start3A_210] : memref<88x128xi32, #tpu.memory_space<vmem>> -> memref<1x128xi32, #tpu.memory_space<vmem>>
      %dma_start3A_212 = tpu.memref_squeeze %dma_start3A_211 : memref<1x128xi32, #tpu.memory_space<vmem>> -> memref<128xi32, #tpu.memory_space<vmem>>
      %dma_start3A_213 = arith.constant 0 : i32
      %dma_start3A_214 = arith.constant 0 : i32
      %dma_start3A_215 = tpu.memref_slice %arg2[%dma_start3A_213, %dma_start3A_214] : memref<10000x128xf32, #tpu.memory_space<hbm>> -> memref<10000x128xf32, #tpu.memory_space<hbm>>
      tpu.enqueue_indirect_dma source(%dma_start3A_215 : memref<10000x128xf32, #tpu.memory_space<hbm>>) target(%arg9 : memref<128x128xf32, #tpu.memory_space<vmem>>) offsets(%dma_start3A_212 : memref<128xi32, #tpu.memory_space<vmem>>) semaphore(%arg12 : memref<!tpu.dma_semaphore, #tpu.memory_space<semaphore_mem>>)
      %dma_wait3A_216 = arith.constant 0 : i32
      %dma_wait3A_217 = tpu.memref_slice %arg6[%add3A_207, %dma_wait3A_216] : memref<88x128xi32, #tpu.memory_space<vmem>> -> memref<1x128xi32, #tpu.memory_space<vmem>>
      %dma_wait3A_218 = tpu.memref_squeeze %dma_wait3A_217 : memref<1x128xi32, #tpu.memory_space<vmem>> -> memref<128xi32, #tpu.memory_space<vmem>>
      %dma_wait3A_219 = arith.constant 0 : i32
      %dma_wait3A_220 = arith.constant 0 : i32
      %dma_wait3A_221 = tpu.memref_slice %arg2[%dma_wait3A_219, %dma_wait3A_220] : memref<10000x128xf32, #tpu.memory_space<hbm>> -> memref<10000x128xf32, #tpu.memory_space<hbm>>
      tpu.wait_indirect_dma semaphore(%arg13 : memref<!tpu.dma_semaphore, #tpu.memory_space<semaphore_mem>>) src(%dma_wait3A_221 : memref<10000x128xf32, #tpu.memory_space<hbm>>) dst(%arg10 : memref<128x128xf32, #tpu.memory_space<vmem>>)
      %run_scoped3A_222 = arith.constant 1 : i32
      "tpu.region"() ({
        %run_scoped3A_267 = tpu.sem_alloc : memref<!tpu.dma_semaphore, #tpu.memory_space<semaphore_mem>>
        %dma_start3A_268 = arith.constant 0 : i32
        %dma_start3A_269 = tpu.memref_slice %arg8[%run_scoped3A_222, %dma_start3A_268] : memref<4x128xi32, #tpu.memory_space<vmem>> -> memref<1x128xi32, #tpu.memory_space<vmem>>
        %dma_start3A_270 = tpu.memref_squeeze %dma_start3A_269 : memref<1x128xi32, #tpu.memory_space<vmem>> -> memref<128xi32, #tpu.memory_space<vmem>>
        %dma_start3A_271 = arith.constant 0 : i32
        %dma_start3A_272 = arith.constant 0 : i32
        %dma_start3A_273 = tpu.memref_slice %arg11[%dma_start3A_271, %dma_start3A_272] : memref<10240x128xf32, #tpu.memory_space<vmem_shared>> -> memref<10240x128xf32, #tpu.memory_space<vmem_shared>>
        tpu.enqueue_indirect_dma source(%arg10 : memref<128x128xf32, #tpu.memory_space<vmem>>) target(%dma_start3A_273 : memref<10240x128xf32, #tpu.memory_space<vmem_shared>>) offsets(%dma_start3A_270 : memref<128xi32, #tpu.memory_space<vmem>>) semaphore(%run_scoped3A_267 : memref<!tpu.dma_semaphore, #tpu.memory_space<semaphore_mem>>) {add = true}
        %dma_wait3A_274 = arith.constant 0 : i32
        %dma_wait3A_275 = tpu.memref_slice %arg8[%run_scoped3A_222, %dma_wait3A_274] : memref<4x128xi32, #tpu.memory_space<vmem>> -> memref<1x128xi32, #tpu.memory_space<vmem>>
        %dma_wait3A_276 = tpu.memref_squeeze %dma_wait3A_275 : memref<1x128xi32, #tpu.memory_space<vmem>> -> memref<128xi32, #tpu.memory_space<vmem>>
        %dma_wait3A_277 = arith.constant 0 : i32
        %dma_wait3A_278 = arith.constant 0 : i32
        %dma_wait3A_279 = tpu.memref_slice %arg11[%dma_wait3A_277, %dma_wait3A_278] : memref<10240x128xf32, #tpu.memory_space<vmem_shared>> -> memref<10240x128xf32, #tpu.memory_space<vmem_shared>>
        tpu.wait_indirect_dma semaphore(%run_scoped3A_267 : memref<!tpu.dma_semaphore, #tpu.memory_space<semaphore_mem>>) src(%arg10 : memref<128x128xf32, #tpu.memory_space<vmem>>) dst(%dma_wait3A_279 : memref<10240x128xf32, #tpu.memory_space<vmem_shared>>)
        tpu.yield
      }) : () -> ()
      %add3A_223 = arith.constant 2 : i32
      %add3A_224 = arith.addi %mul3A_180, %add3A_223 : i32
      %add3A_225 = arith.constant 1 : i32
      %add3A_226 = arith.addi %add3A_224, %add3A_225 : i32
      %dma_start3A_227 = arith.constant 0 : i32
      %dma_start3A_228 = tpu.memref_slice %arg6[%add3A_226, %dma_start3A_227] : memref<88x128xi32, #tpu.memory_space<vmem>> -> memref<1x128xi32, #tpu.memory_space<vmem>>
      %dma_start3A_229 = tpu.memref_squeeze %dma_start3A_228 : memref<1x128xi32, #tpu.memory_space<vmem>> -> memref<128xi32, #tpu.memory_space<vmem>>
      %dma_start3A_230 = arith.constant 0 : i32
      %dma_start3A_231 = arith.constant 0 : i32
      %dma_start3A_232 = tpu.memref_slice %arg2[%dma_start3A_230, %dma_start3A_231] : memref<10000x128xf32, #tpu.memory_space<hbm>> -> memref<10000x128xf32, #tpu.memory_space<hbm>>
      tpu.enqueue_indirect_dma source(%dma_start3A_232 : memref<10000x128xf32, #tpu.memory_space<hbm>>) target(%arg10 : memref<128x128xf32, #tpu.memory_space<vmem>>) offsets(%dma_start3A_229 : memref<128xi32, #tpu.memory_space<vmem>>) semaphore(%arg13 : memref<!tpu.dma_semaphore, #tpu.memory_space<semaphore_mem>>)
      %dma_wait3A_233 = arith.constant 0 : i32
      %dma_wait3A_234 = tpu.memref_slice %arg6[%add3A_224, %dma_wait3A_233] : memref<88x128xi32, #tpu.memory_space<vmem>> -> memref<1x128xi32, #tpu.memory_space<vmem>>
      %dma_wait3A_235 = tpu.memref_squeeze %dma_wait3A_234 : memref<1x128xi32, #tpu.memory_space<vmem>> -> memref<128xi32, #tpu.memory_space<vmem>>
      %dma_wait3A_236 = arith.constant 0 : i32
      %dma_wait3A_237 = arith.constant 0 : i32
      %dma_wait3A_238 = tpu.memref_slice %arg2[%dma_wait3A_236, %dma_wait3A_237] : memref<10000x128xf32, #tpu.memory_space<hbm>> -> memref<10000x128xf32, #tpu.memory_space<hbm>>
      tpu.wait_indirect_dma semaphore(%arg12 : memref<!tpu.dma_semaphore, #tpu.memory_space<semaphore_mem>>) src(%dma_wait3A_238 : memref<10000x128xf32, #tpu.memory_space<hbm>>) dst(%arg9 : memref<128x128xf32, #tpu.memory_space<vmem>>)
      %run_scoped3A_239 = arith.constant 2 : i32
      "tpu.region"() ({
        %run_scoped3A_267 = tpu.sem_alloc : memref<!tpu.dma_semaphore, #tpu.memory_space<semaphore_mem>>
        %dma_start3A_268 = arith.constant 0 : i32
        %dma_start3A_269 = tpu.memref_slice %arg8[%run_scoped3A_239, %dma_start3A_268] : memref<4x128xi32, #tpu.memory_space<vmem>> -> memref<1x128xi32, #tpu.memory_space<vmem>>
        %dma_start3A_270 = tpu.memref_squeeze %dma_start3A_269 : memref<1x128xi32, #tpu.memory_space<vmem>> -> memref<128xi32, #tpu.memory_space<vmem>>
        %dma_start3A_271 = arith.constant 0 : i32
        %dma_start3A_272 = arith.constant 0 : i32
        %dma_start3A_273 = tpu.memref_slice %arg11[%dma_start3A_271, %dma_start3A_272] : memref<10240x128xf32, #tpu.memory_space<vmem_shared>> -> memref<10240x128xf32, #tpu.memory_space<vmem_shared>>
        tpu.enqueue_indirect_dma source(%arg9 : memref<128x128xf32, #tpu.memory_space<vmem>>) target(%dma_start3A_273 : memref<10240x128xf32, #tpu.memory_space<vmem_shared>>) offsets(%dma_start3A_270 : memref<128xi32, #tpu.memory_space<vmem>>) semaphore(%run_scoped3A_267 : memref<!tpu.dma_semaphore, #tpu.memory_space<semaphore_mem>>) {add = true}
        %dma_wait3A_274 = arith.constant 0 : i32
        %dma_wait3A_275 = tpu.memref_slice %arg8[%run_scoped3A_239, %dma_wait3A_274] : memref<4x128xi32, #tpu.memory_space<vmem>> -> memref<1x128xi32, #tpu.memory_space<vmem>>
        %dma_wait3A_276 = tpu.memref_squeeze %dma_wait3A_275 : memref<1x128xi32, #tpu.memory_space<vmem>> -> memref<128xi32, #tpu.memory_space<vmem>>
        %dma_wait3A_277 = arith.constant 0 : i32
        %dma_wait3A_278 = arith.constant 0 : i32
        %dma_wait3A_279 = tpu.memref_slice %arg11[%dma_wait3A_277, %dma_wait3A_278] : memref<10240x128xf32, #tpu.memory_space<vmem_shared>> -> memref<10240x128xf32, #tpu.memory_space<vmem_shared>>
        tpu.wait_indirect_dma semaphore(%run_scoped3A_267 : memref<!tpu.dma_semaphore, #tpu.memory_space<semaphore_mem>>) src(%arg9 : memref<128x128xf32, #tpu.memory_space<vmem>>) dst(%dma_wait3A_279 : memref<10240x128xf32, #tpu.memory_space<vmem_shared>>)
        tpu.yield
      }) : () -> ()
      %add3A_240 = arith.constant 3 : i32
      %add3A_241 = arith.addi %mul3A_180, %add3A_240 : i32
      %add3A_242 = arith.constant 1 : i32
      %add3A_243 = arith.addi %add3A_241, %add3A_242 : i32
      %dma_start3A_244 = arith.constant 0 : i32
      %dma_start3A_245 = tpu.memref_slice %arg6[%add3A_243, %dma_start3A_244] : memref<88x128xi32, #tpu.memory_space<vmem>> -> memref<1x128xi32, #tpu.memory_space<vmem>>
      %dma_start3A_246 = tpu.memref_squeeze %dma_start3A_245 : memref<1x128xi32, #tpu.memory_space<vmem>> -> memref<128xi32, #tpu.memory_space<vmem>>
      %dma_start3A_247 = arith.constant 0 : i32
      %dma_start3A_248 = arith.constant 0 : i32
      %dma_start3A_249 = tpu.memref_slice %arg2[%dma_start3A_247, %dma_start3A_248] : memref<10000x128xf32, #tpu.memory_space<hbm>> -> memref<10000x128xf32, #tpu.memory_space<hbm>>
      tpu.enqueue_indirect_dma source(%dma_start3A_249 : memref<10000x128xf32, #tpu.memory_space<hbm>>) target(%arg9 : memref<128x128xf32, #tpu.memory_space<vmem>>) offsets(%dma_start3A_246 : memref<128xi32, #tpu.memory_space<vmem>>) semaphore(%arg12 : memref<!tpu.dma_semaphore, #tpu.memory_space<semaphore_mem>>)
      %dma_wait3A_250 = arith.constant 0 : i32
      %dma_wait3A_251 = tpu.memref_slice %arg6[%add3A_241, %dma_wait3A_250] : memref<88x128xi32, #tpu.memory_space<vmem>> -> memref<1x128xi32, #tpu.memory_space<vmem>>
      %dma_wait3A_252 = tpu.memref_squeeze %dma_wait3A_251 : memref<1x128xi32, #tpu.memory_space<vmem>> -> memref<128xi32, #tpu.memory_space<vmem>>
      %dma_wait3A_253 = arith.constant 0 : i32
      %dma_wait3A_254 = arith.constant 0 : i32
      %dma_wait3A_255 = tpu.memref_slice %arg2[%dma_wait3A_253, %dma_wait3A_254] : memref<10000x128xf32, #tpu.memory_space<hbm>> -> memref<10000x128xf32, #tpu.memory_space<hbm>>
      tpu.wait_indirect_dma semaphore(%arg13 : memref<!tpu.dma_semaphore, #tpu.memory_space<semaphore_mem>>) src(%dma_wait3A_255 : memref<10000x128xf32, #tpu.memory_space<hbm>>) dst(%arg10 : memref<128x128xf32, #tpu.memory_space<vmem>>)
      %run_scoped3A_256 = arith.constant 3 : i32
      "tpu.region"() ({
        %run_scoped3A_267 = tpu.sem_alloc : memref<!tpu.dma_semaphore, #tpu.memory_space<semaphore_mem>>
        %dma_start3A_268 = arith.constant 0 : i32
        %dma_start3A_269 = tpu.memref_slice %arg8[%run_scoped3A_256, %dma_start3A_268] : memref<4x128xi32, #tpu.memory_space<vmem>> -> memref<1x128xi32, #tpu.memory_space<vmem>>
        %dma_start3A_270 = tpu.memref_squeeze %dma_start3A_269 : memref<1x128xi32, #tpu.memory_space<vmem>> -> memref<128xi32, #tpu.memory_space<vmem>>
        %dma_start3A_271 = arith.constant 0 : i32
        %dma_start3A_272 = arith.constant 0 : i32
        %dma_start3A_273 = tpu.memref_slice %arg11[%dma_start3A_271, %dma_start3A_272] : memref<10240x128xf32, #tpu.memory_space<vmem_shared>> -> memref<10240x128xf32, #tpu.memory_space<vmem_shared>>
        tpu.enqueue_indirect_dma source(%arg10 : memref<128x128xf32, #tpu.memory_space<vmem>>) target(%dma_start3A_273 : memref<10240x128xf32, #tpu.memory_space<vmem_shared>>) offsets(%dma_start3A_270 : memref<128xi32, #tpu.memory_space<vmem>>) semaphore(%run_scoped3A_267 : memref<!tpu.dma_semaphore, #tpu.memory_space<semaphore_mem>>) {add = true}
        %dma_wait3A_274 = arith.constant 0 : i32
        %dma_wait3A_275 = tpu.memref_slice %arg8[%run_scoped3A_256, %dma_wait3A_274] : memref<4x128xi32, #tpu.memory_space<vmem>> -> memref<1x128xi32, #tpu.memory_space<vmem>>
        %dma_wait3A_276 = tpu.memref_squeeze %dma_wait3A_275 : memref<1x128xi32, #tpu.memory_space<vmem>> -> memref<128xi32, #tpu.memory_space<vmem>>
        %dma_wait3A_277 = arith.constant 0 : i32
        %dma_wait3A_278 = arith.constant 0 : i32
        %dma_wait3A_279 = tpu.memref_slice %arg11[%dma_wait3A_277, %dma_wait3A_278] : memref<10240x128xf32, #tpu.memory_space<vmem_shared>> -> memref<10240x128xf32, #tpu.memory_space<vmem_shared>>
        tpu.wait_indirect_dma semaphore(%run_scoped3A_267 : memref<!tpu.dma_semaphore, #tpu.memory_space<semaphore_mem>>) src(%arg10 : memref<128x128xf32, #tpu.memory_space<vmem>>) dst(%dma_wait3A_279 : memref<10240x128xf32, #tpu.memory_space<vmem_shared>>)
        tpu.yield
      }) : () -> ()
      %add3A_257 = arith.constant 2 : i32
      %add3A_258 = arith.addi %add3A_178, %add3A_257 : i32
      %mul3A_259 = arith.constant 4 : i32
      %mul3A_260 = arith.muli %add3A_258, %mul3A_259 : i32
      %dma_start3A_261 = arith.constant 0 : i32
      %dma_start3A_262 = tpu.memref_slice %arg4[%add3A, %mul3A_260, %dma_start3A_261] : memref<32x88x128xi32, #tpu.memory_space<hbm>> -> memref<1x4x128xi32, #tpu.memory_space<hbm>>
      %dma_start3A_263 = tpu.memref_squeeze %dma_start3A_262 : memref<1x4x128xi32, #tpu.memory_space<hbm>> -> memref<4x128xi32, #tpu.memory_space<hbm>>
      %dma_start3A_264 = arith.constant 0 : i32
      %dma_start3A_265 = tpu.memref_slice %arg4[%add3A, %mul3A_260, %dma_start3A_264] : memref<32x88x128xi32, #tpu.memory_space<hbm>> -> memref<1x4x128xi32, #tpu.memory_space<hbm>>
      %dma_start3A_266 = tpu.memref_squeeze %dma_start3A_265 : memref<1x4x128xi32, #tpu.memory_space<hbm>> -> memref<4x128xi32, #tpu.memory_space<hbm>>
      tpu.enqueue_dma source(%dma_start3A_266 : memref<4x128xi32, #tpu.memory_space<hbm>>) target(%arg8 : memref<4x128xi32, #tpu.memory_space<vmem>>) target_semaphore(%arg15 : memref<!tpu.dma_semaphore, #tpu.memory_space<semaphore_mem>>)
    }
    %scan3A_58 = arith.constant 10 : i32
    %dma_wait3A_59 = arith.constant 0 : i32
    %dma_wait3A_60 = arith.constant 0 : i32
    %dma_wait3A_61 = tpu.memref_slice %arg4[%add3A, %dma_wait3A_59, %dma_wait3A_60] : memref<32x88x128xi32, #tpu.memory_space<hbm>> -> memref<1x4x128xi32, #tpu.memory_space<hbm>>
    %dma_wait3A_62 = tpu.memref_squeeze %dma_wait3A_61 : memref<1x4x128xi32, #tpu.memory_space<hbm>> -> memref<4x128xi32, #tpu.memory_space<hbm>>
    %dma_wait3A_63 = arith.constant 0 : i32
    %dma_wait3A_64 = arith.constant 0 : i32
    %dma_wait3A_65 = tpu.memref_slice %arg4[%add3A, %dma_wait3A_63, %dma_wait3A_64] : memref<32x88x128xi32, #tpu.memory_space<hbm>> -> memref<1x4x128xi32, #tpu.memory_space<hbm>>
    %dma_wait3A_66 = tpu.memref_squeeze %dma_wait3A_65 : memref<1x4x128xi32, #tpu.memory_space<hbm>> -> memref<4x128xi32, #tpu.memory_space<hbm>>
    tpu.wait_dma2 semaphore(%arg14 : memref<!tpu.dma_semaphore, #tpu.memory_space<semaphore_mem>>) src(%dma_wait3A_66 : memref<4x128xi32, #tpu.memory_space<hbm>>) dst(%arg7 : memref<4x128xi32, #tpu.memory_space<vmem>>)
    %dma_wait3A_67 = arith.constant 0 : i32
    %dma_wait3A_68 = arith.constant 0 : i32
    %dma_wait3A_69 = tpu.memref_slice %arg4[%add3A, %dma_wait3A_67, %dma_wait3A_68] : memref<32x88x128xi32, #tpu.memory_space<hbm>> -> memref<1x4x128xi32, #tpu.memory_space<hbm>>
    %dma_wait3A_70 = tpu.memref_squeeze %dma_wait3A_69 : memref<1x4x128xi32, #tpu.memory_space<hbm>> -> memref<4x128xi32, #tpu.memory_space<hbm>>
    %dma_wait3A_71 = arith.constant 0 : i32
    %dma_wait3A_72 = arith.constant 0 : i32
    %dma_wait3A_73 = tpu.memref_slice %arg4[%add3A, %dma_wait3A_71, %dma_wait3A_72] : memref<32x88x128xi32, #tpu.memory_space<hbm>> -> memref<1x4x128xi32, #tpu.memory_space<hbm>>
    %dma_wait3A_74 = tpu.memref_squeeze %dma_wait3A_73 : memref<1x4x128xi32, #tpu.memory_space<hbm>> -> memref<4x128xi32, #tpu.memory_space<hbm>>
    tpu.wait_dma2 semaphore(%arg15 : memref<!tpu.dma_semaphore, #tpu.memory_space<semaphore_mem>>) src(%dma_wait3A_74 : memref<4x128xi32, #tpu.memory_space<hbm>>) dst(%arg8 : memref<4x128xi32, #tpu.memory_space<vmem>>)
    %dma_wait3A_75 = arith.constant 0 : i32
    %dma_wait3A_76 = arith.constant 0 : i32
    %dma_wait3A_77 = tpu.memref_slice %arg6[%dma_wait3A_75, %dma_wait3A_76] : memref<88x128xi32, #tpu.memory_space<vmem>> -> memref<1x128xi32, #tpu.memory_space<vmem>>
    %dma_wait3A_78 = tpu.memref_squeeze %dma_wait3A_77 : memref<1x128xi32, #tpu.memory_space<vmem>> -> memref<128xi32, #tpu.memory_space<vmem>>
    %dma_wait3A_79 = arith.constant 0 : i32
    %dma_wait3A_80 = arith.constant 0 : i32
    %dma_wait3A_81 = tpu.memref_slice %arg2[%dma_wait3A_79, %dma_wait3A_80] : memref<10000x128xf32, #tpu.memory_space<hbm>> -> memref<10000x128xf32, #tpu.memory_space<hbm>>
    tpu.wait_indirect_dma semaphore(%arg12 : memref<!tpu.dma_semaphore, #tpu.memory_space<semaphore_mem>>) src(%dma_wait3A_81 : memref<10000x128xf32, #tpu.memory_space<hbm>>) dst(%arg9 : memref<128x128xf32, #tpu.memory_space<vmem>>)
    %barrier3A_82 = arith.constant 0 : index
    tpu.barrier barrier_id(%barrier3A_82)
    "tpu.region"() ({
      %run_scoped3A = tpu.sem_alloc : memref<!tpu.dma_semaphore, #tpu.memory_space<semaphore_mem>>
      %dma_start3A_83 = arith.constant 0 : i32
      %dma_start3A_84 = tpu.memref_slice %arg5[%arg0, %mul3A_29, %dma_start3A_83] : memref<2x10240x128xf32, #tpu.memory_space<hbm>> -> memref<1x640x128xf32, #tpu.memory_space<hbm>>
      %dma_start3A_85 = tpu.memref_squeeze %dma_start3A_84 : memref<1x640x128xf32, #tpu.memory_space<hbm>> -> memref<640x128xf32, #tpu.memory_space<hbm>>
      %dma_start3A_86 = arith.constant 0 : i32
      %dma_start3A_87 = tpu.memref_slice %arg11[%mul3A_29, %dma_start3A_86] : memref<10240x128xf32, #tpu.memory_space<vmem_shared>> -> memref<640x128xf32, #tpu.memory_space<vmem_shared>>
      tpu.enqueue_dma source(%dma_start3A_87 : memref<640x128xf32, #tpu.memory_space<vmem_shared>>) target(%dma_start3A_85 : memref<640x128xf32, #tpu.memory_space<hbm>>) target_semaphore(%run_scoped3A : memref<!tpu.dma_semaphore, #tpu.memory_space<semaphore_mem>>)
      %dma_wait3A_88 = arith.constant 0 : i32
      %dma_wait3A_89 = tpu.memref_slice %arg5[%arg0, %mul3A_29, %dma_wait3A_88] : memref<2x10240x128xf32, #tpu.memory_space<hbm>> -> memref<1x640x128xf32, #tpu.memory_space<hbm>>
      %dma_wait3A_90 = tpu.memref_squeeze %dma_wait3A_89 : memref<1x640x128xf32, #tpu.memory_space<hbm>> -> memref<640x128xf32, #tpu.memory_space<hbm>>
      %dma_wait3A_91 = arith.constant 0 : i32
      %dma_wait3A_92 = tpu.memref_slice %arg11[%mul3A_29, %dma_wait3A_91] : memref<10240x128xf32, #tpu.memory_space<vmem_shared>> -> memref<640x128xf32, #tpu.memory_space<vmem_shared>>
      tpu.wait_dma2 semaphore(%run_scoped3A : memref<!tpu.dma_semaphore, #tpu.memory_space<semaphore_mem>>) src(%dma_wait3A_92 : memref<640x128xf32, #tpu.memory_space<vmem_shared>>) dst(%dma_wait3A_90 : memref<640x128xf32, #tpu.memory_space<hbm>>)
      tpu.yield
    }) : () -> ()
    return
  }
}

module attributes {stable_mosaic.version = 14 : i64} {
  func.func @body(%arg0: i32, %arg1: memref<2x1000x128xf32, #tpu.memory_space<vmem>>, %arg2: memref<1x128xf32, #tpu.memory_space<vmem>>, %arg3: memref<1000x128xf32, #tpu.memory_space<vmem>>) attributes {dimension_semantics = [#tpu.dimension_semantics<arbitrary>], iteration_bounds = array<i64: 10>, scalar_prefetch = 0 : i64, scratch_operands = 0 : i64, tpu.core_type = #tpu.core_type<tc>, window_params = [{transform_indices = @transform_0, window_bounds = array<i64: 2, 1000, 128>}, {pipeline_mode = #tpu.pipeline_mode<synchronous>, transform_indices = @transform_1, window_bounds = array<i64: 1, 128>}, {transform_indices = @transform_2, window_bounds = array<i64: 1000, 128>}]} {
    %get3A = arith.constant 0 : index
    %get3A_0 = arith.constant 0 : index
    %get3A_1 = arith.constant 0 : index
    %get3A_2 = vector.load %arg1[%get3A, %get3A_0, %get3A_1] : memref<2x1000x128xf32, #tpu.memory_space<vmem>>, vector<1x1000x128xf32>
    %get3A_3 = vector.shape_cast %get3A_2 : vector<1x1000x128xf32> to vector<1000x128xf32>
    %get3A_4 = arith.constant 1 : index
    %get3A_5 = arith.constant 0 : index
    %get3A_6 = arith.constant 0 : index
    %get3A_7 = vector.load %arg1[%get3A_4, %get3A_5, %get3A_6] : memref<2x1000x128xf32, #tpu.memory_space<vmem>>, vector<1x1000x128xf32>
    %get3A_8 = vector.shape_cast %get3A_7 : vector<1x1000x128xf32> to vector<1000x128xf32>
    %add3A = arith.addf %get3A_3, %get3A_8 : vector<1000x128xf32>
    %get3A_9 = arith.constant 0 : index
    %get3A_10 = arith.constant 0 : index
    %get3A_11 = vector.load %arg2[%get3A_9, %get3A_10] : memref<1x128xf32, #tpu.memory_space<vmem>>, vector<1x128xf32>
    %mul3A = vector.broadcast %get3A_11 : vector<1x128xf32> to vector<1000x128xf32>
    %mul3A_12 = arith.mulf %add3A, %mul3A : vector<1000x128xf32>
    %swap3A = arith.constant 0 : index
    %swap3A_13 = arith.constant 0 : index
    %swap3A_14 = vector.load %arg3[%swap3A, %swap3A_13] : memref<1000x128xf32, #tpu.memory_space<vmem>>, vector<1000x128xf32>
    tpu.vector_store %arg3[%swap3A, %swap3A_13], %mul3A_12 {strides = array<i32>} : memref<1000x128xf32, #tpu.memory_space<vmem>>, vector<1000x128xf32>,
    return
  }
  func.func @transform_0(%arg0: i32) -> (i32, i32, i32) {
    %c0_i32 = arith.constant 0 : i32
    %c0_i32_0 = arith.constant 0 : i32
    %c0_i32_1 = arith.constant 0 : i32
    return %c0_i32, %arg0, %c0_i32_0 : i32, i32, i32
  }
  func.func @transform_1(%arg0: i32) -> (i32, i32) {
    %c0_i32 = arith.constant 0 : i32
    %c0_i32_0 = arith.constant 0 : i32
    %c0_i32_1 = arith.constant 0 : i32
    return %c0_i32, %c0_i32_0 : i32, i32
  }
  func.func @transform_2(%arg0: i32) -> (i32, i32) {
    %c0_i32 = arith.constant 0 : i32
    %c0_i32_0 = arith.constant 0 : i32
    return %arg0, %c0_i32 : i32, i32
  }
}

</mosaic_0001>

<sc_bundles>
// kernel: kernel.4.cloned.1.call-start
scs
__scs_entry_jumppad:
0x0: {  	(pc) =	sbr.rel $0x88, $3  }
0x1: {  	(tag) =	ssettag $0x0;
	lr =	simm.s32 $0x1  }
0x2: {  	[smem:$0x3F9E] =	sst lr;
	_ =	strace $0xD0000000  }
0x3: {  	_ = 	snop  }
0x4: {  	_ = 	snop  }
0x5: {  	_ = 	snop  }
0x6: {  	_ = 	snop  }
0x7: {  	_ = 	snop  }
__scs_overlays_trampoline_lowered:
0x8: {  	[smem:$0x3FAD] =	sst s0  }
0x9: {  	[smem:$0x3FAE] =	sst s1  }
0xa: {  	[smem:$0x3FAF] =	sst s2  }
0xb: {  	[smem:$0x3FB0] =	sst s3  }
0xc: {  	[smem:$0x3FB1] =	sst s4  }
0xd: {  	[smem:$0x3FB2] =	sst s5  }
0xe: {  	[smem:$0x3FB3] =	sst s6  }
0xf: {  	[smem:$0x3FB4] =	sst s7  }
0x10: {  	[smem:$0x3FB5] =	sst s8  }
0x11: {  	[smem:$0x3FB6] =	sst s9;
	s0 =	simm.s32 @!p0 $0x0  }
0x12: {  	s1 =	sld [smem:$0x3F9C];
	s0 =	simm.s32 @p0 $0x1  }
0x13: {  	[smem:$0x3FB7] =	sst s0;
	s0 =	simm.s32 @!p1 $0x0  }
0x14: {  	s2 =	sld [smem:$0x3F9B];
	s0 =	simm.s32 @p1 $0x1  }
0x15: {  	[smem:$0x3FB8] =	sst s0;
	s0 =	simm.s32 @!p2 $0x0  }
0x16: {  	s3 =	sld [smem:$0x3FDB];
	s0 =	simm.s32 @p2 $0x1  }
0x17: {  	s4 =	simm.s32 $0x1BF5;
	[smem:$0x3FBA] =	sst s0  }
0x18: {  	s0 =	sld [smem:$0x3F9D];
	_ =	swait.ge [sflag:s4], $0x0  }
0x19: {  	s7 =	sld [smem:$0x3F9E]  }
0x1a: {  	s8 =	sadd.s32 $0xFFFFE003, lr  }
0x1b: {  	s9 =	sadd.s32 $0xFFFFFEF7, lr;
	s5 =	simm.s32 $0xFFFFFFFF;
	p2 =	slt.u32 s8, $0xFFFFF086  }
0x1c: {  	p1 =	slt.u32 s9, $0xF7A;
	s5 =	simm.s32 @!p2 $0x0  }
0x1d: {  	s5 =	simm.s32 @p1 $0x1;
	p0 =	seq.s32 s7, s2  }
0x1e: {  	s7 =	smul.u32 @!p0 $0xF7A, s2;
	p2 =	seq.s32 @!p0 s5, $0x0  }
0x1f: {  	s9 =	smul.u32 $0xF7A, s1;
	s8 =	simm.s32 @!p0 $0x1BF5;
	p2 =	por !p2, p0  }
0x20: {  	[sflag:s8] =	ssyncset.s32 @!p0 $0xFFFFF086;
	s6 =	sadd.s32 @!p0 s3, s7;
	s7 =	simm.s32 @!p0 $0x108  }
0x21: {  	s3 =	sadd.s32 s3, s9;
	s6 =	sadd.s32 @!p0 $0x88, s6;
	s7 =	simm.s32 @p2 $0x1082  }
0x22: {  	[simem:s7], [sflag:s8] =	dma.local @!p0 [hbm:s6], $0xF7A  }
0x23: {  	s9 =	sor.u32 $0xD0000000, s2;
	s6 =	simm.s32 $0x108;
	_ =	swait.ge @!p0 [sflag:s8], $0x0  }
0x24: {  	s3 =	sadd.s32 $0x88, s3;
	s6 =	simm.s32 @!p1 $0x1082;
	[sflag:s4] =	ssyncset.s32 $0xFFFFF086  }
0x25: {  	[simem:s6], [sflag:s4] =	dma.local [hbm:s3], $0xF7A  }
0x26: {  	[smem:$0x3F9E] =	sst s1;
	(tag) =	ssettag s2;
	_ =	strace s9  }
0x27: {  	s1 =	sld [smem:$0x3FAE]  }
0x28: {  	s2 =	sld [smem:$0x3FAF]  }
0x29: {  	s4 =	sld [smem:$0x3FB1]  }
0x2a: {  	p0 =	seq.s32 s5, $0x0;
	s5 =	sld [smem:$0x3FB2]  }
0x2b: {  	s6 =	sld [smem:$0x3FB3]  }
0x2c: {  	s7 =	sld [smem:$0x3FB4]  }
0x2d: {  	s3 =	simm.s32 $0x108;
	s8 =	sld [smem:$0x3FB5]  }
0x2e: {  	s3 =	simm.s32 @!p0 $0x1082;
	s9 =	sld [smem:$0x3FB6]  }
0x2f: {  	lr =	sadd.s32 s0, s3;
	s0 =	sld [smem:$0x3FAD]  }
0x30: {  	s3 =	sld [smem:$0x3FB0]  }
0x31: {  	[smem:$0x3FB9] =	sst s10  }
0x32: {  	s10 =	sld [smem:$0x3FB7];
	_ =	sdelay $0x3  }
0x33: {  	p0 =	seq.s32 s10, $0x1;
	s10 =	sld [smem:$0x3FB9];
	_ =	sdelay $0x3  }
0x34: {  	[smem:$0x3FB9] =	sst s10  }
0x35: {  	s10 =	sld [smem:$0x3FB8];
	_ =	sdelay $0x3  }
0x36: {  	p1 =	seq.s32 s10, $0x1;
	s10 =	sld [smem:$0x3FB9];
	_ =	sdelay $0x3  }
0x37: {  	[smem:$0x3FB9] =	sst s10  }
0x38: {  	s10 =	sld [smem:$0x3FBA]  }
0x39: {  	_ = 	snop;
	(pc) =	sbr.ind lr, $3  }
0x3a: {  	_ = 	snop  }
0x3b: {  	_ = 	snop  }
0x3c: {  	p2 =	seq.s32 s10, $0x1;
	s10 =	sld [smem:$0x3FB9]  }
0x3d: {  	_ =	shalt  }
0x3e: {  	_ =	shalt  }
0x3f: {  	_ =	shalt  }
0x40: {  	_ =	shalt  }
0x41: {  	_ =	shalt  }
0x42: {  	_ =	shalt  }
0x43: {  	_ =	shalt  }
0x44: {  	_ =	shalt  }
0x45: {  	_ =	shalt  }
0x46: {  	_ =	shalt  }
0x47: {  	_ =	shalt  }
0x48: {  	_ =	shalt  }
0x49: {  	_ =	shalt  }
0x4a: {  	_ =	shalt  }
0x4b: {  	_ =	shalt  }
0x4c: {  	_ =	shalt  }
0x4d: {  	_ =	shalt  }
0x4e: {  	_ =	shalt  }
0x4f: {  	_ =	shalt  }
0x50: {  	_ =	shalt  }
0x51: {  	_ =	shalt  }
0x52: {  	_ =	shalt  }
0x53: {  	_ =	shalt  }
0x54: {  	_ =	shalt  }
0x55: {  	_ =	shalt  }
0x56: {  	_ =	shalt  }
0x57: {  	_ =	shalt  }
0x58: {  	_ =	shalt  }
0x59: {  	_ =	shalt  }
0x5a: {  	_ =	shalt  }
0x5b: {  	_ =	shalt  }
0x5c: {  	_ =	shalt  }
0x5d: {  	_ =	shalt  }
0x5e: {  	_ =	shalt  }
0x5f: {  	_ =	shalt  }
0x60: {  	_ =	shalt  }
0x61: {  	_ =	shalt  }
0x62: {  	_ =	shalt  }
0x63: {  	_ =	shalt  }
0x64: {  	_ =	shalt  }
0x65: {  	_ =	shalt  }
0x66: {  	_ =	shalt  }
0x67: {  	_ =	shalt  }
0x68: {  	_ =	shalt  }
0x69: {  	_ =	shalt  }
0x6a: {  	_ =	shalt  }
0x6b: {  	_ =	shalt  }
0x6c: {  	_ =	shalt  }
0x6d: {  	_ =	shalt  }
0x6e: {  	_ =	shalt  }
0x6f: {  	_ =	shalt  }
0x70: {  	_ =	shalt  }
0x71: {  	_ =	shalt  }
0x72: {  	_ =	shalt  }
0x73: {  	_ =	shalt  }
0x74: {  	_ =	shalt  }
0x75: {  	_ =	shalt  }
0x76: {  	_ =	shalt  }
0x77: {  	_ =	shalt  }
0x78: {  	_ =	shalt  }
0x79: {  	_ =	shalt  }
0x7a: {  	_ =	shalt  }
0x7b: {  	_ =	shalt  }
0x7c: {  	_ =	shalt  }
0x7d: {  	_ =	shalt  }
0x7e: {  	_ =	shalt  }
0x7f: {  	_ =	shalt  }
0x80: {  	_ =	shalt  }
0x81: {  	_ =	shalt  }
0x82: {  	_ =	shalt  }
0x83: {  	_ =	shalt  }
0x84: {  	_ =	shalt  }
0x85: {  	_ =	shalt  }
0x86: {  	_ =	shalt  }
0x87: {  	_ =	shalt  }
.Lfunc_end0:
.L_simem_size_0:
called_computation_lowered:
.L_overlay_start_0:
0x88: {  	s2 =	sld [smem:$0x3FD9]  }
0x89: {  	s3 =	sld [smem:$0x3FFE];
	_ =	sdelay $0x1  }
0x8a: {  	s1 =	srdreg.scid  }
0x8b: {  	s0 =	sand.u32 $0x1, s1  }
0x8c: {  	s17 =	sshll.u32 s0, $0xA;
	s2 =	sadd.s32 s3, s2  }
0x8d: {  	s2 =	sadd.s32 s2, s17  }
0x8e: {  	[smem:$0x3FC5] =	sst s2  }
0x8f: {  	_ = 	snop  }
0x90: {  	s2 =	sld [smem:$0x3FC9]  }
0x91: {  	s18 =	sld [smem:$0x3FD0];
	(tm) =	ssettm $0x1  }
0x92: {  	s4 =	sld [smem:$0x3FFB];
	_ =	sdelay $0x3  }
0x93: {  	_ =	strace s4  }
0x94: {  	s4 =	sld [smem:$0x3FFC];
	_ =	sdelay $0x3  }
0x95: {  	_ =	strace s4  }
0x96: {  	s4 =	sld [smem:$0x3FFD];
	_ =	sdelay $0x3  }
0x97: {  	_ =	strace s4  }
0x98: {  	_ =	strace $0x8FFFFFFF  }
0x99: {  	s19 =	sld [smem:$0x3FDB];
	_ =	sdelay $0x1  }
0x9a: {  	s5 =	simm.s32 $_scs_section_size  }
0x9b: {  	s6 =	simm.s32 $_size__tile_overlayer_lowered;
	s7 =	simm.s32 $_tile_overlayer_lowered  }
0x9c: {  	s22 =	simm.s32 $0x1BFF;
	s21 =	sshll.u32 s7, $0x1;
	s4 =	sadd.s32 s5, s19  }
0x9d: {  	s8 =	simm.s32 $0x0;
	s20 =	sshll.u32 s6, $0x1;
	s6 =	sadd.s32 s21, s4  }
0x9e: {  	[timem:s8], [sflag:s22] =	dma.local [hbm:s6], s20  }
0x9f: {  	_ =	swait.ge [sflag:s22], s20  }
0xa0: {  	s5 =	ssub.s32 $0x0, s20;
	[sflag:s22] =	ssyncset.done $0x0  }
0xa1: {  	[sflag:s22] =	ssyncadd.s32 s5;
	_ =	sdelay $0x1  }
0xa2: {  	s23 =	simm.s32 $0x1B8B  }
0xa3: {  	_ =	swait.ge [sflag:s23], $0x1  }
0xa4: {  	[sflag:s23] =	ssyncset.done $0x0  }
0xa5: {  	s25 =	simm.s32 $0x1B8E;
	s24 =	sld [smem:$0x3FFE];
	[sflag:s23] =	ssyncadd.s32 $0xFFFFFFFF  }
0xa6: {  	s26 =	simm.s32 $execute0_lowered;
	[smem:$0x3FD2] =	sst s25  }
0xa7: {  	s6 =	sshll.u32 s26, $0x1;
	_ =	strace $0x80000046;
	[dreg:$0x1] =	wrdreg $0xFFFFFFFF  }
0xa8: {  	s28 =	simm.s32 $_size_execute0_lowered;
	s4 =	sadd.s32 s4, s6;
	[dreg:$0x0] =	wrdreg $0x0  }
0xa9: {  	s6 =	sshll.u32 s28, $0x1;
	[dreg:$0x2] =	wrdreg s4  }
0xaa: {  	[dreg:$0x3] =	wrdreg s6  }
0xab: {  	[dreg:$0x4] =	wrdreg $0xC0  }
0xac: {  	_ =	task [dreg:s8], $0x5FFFF  }
0xad: {  	[dreg:$0x1] =	wrdreg $0xFFFFFFFF  }
0xae: {  	[dreg:$0x0] =	wrdreg $0x60  }
0xaf: {  	[dreg:$0x2] =	wrdreg s2  }
0xb0: {  	[dreg:$0x3] =	wrdreg s18  }
0xb1: {  	[dreg:$0x4] =	wrdreg s24  }
0xb2: {  	[dreg:$0x5] =	wrdreg $0xB0000  }
0xb3: {  	[dreg:$0x6] =	wrdreg $0x9  }
0xb4: {  	_ =	task.clear_ibuf [dreg:s8], $0x7FFFF;
	_ =	strace $0x90000046  }
0xb5: {  	s29 =	simm.s32 $0x9;
	_ =	strace $0x80000048  }
0xb6: {  	_ =	swait.ge [sflag:s29], $0x1  }
0xb7: {  	[sflag:s29] =	ssyncadd.s32 $0xFFFFFFFF  }
0xb8: {  	_ =	strace $0x90000048  }
0xb9: {  	_ =	sfence  }
0xba: {  	s30 =	sld [smem:$0x0];
	_ =	sdelay $0x2  }
0xbb: {  	s31 =	sshll.u32 s1, $0xD;
	s1 =	sshrl.u32 s1, $0x2  }
0xbc: {  	s3 =	sand.u32 $0x4000, s31;
	s1 =	sadd.s32 s1, s30  }
0xbd: {  	s0 =	sor.u32 s3, s0;
	s1 =	sshll.u32 s1, $0x11  }
0xbe: {  	s0 =	sor.u32 s1, s0  }
0xbf: {  	s0 =	sadd.s32 $0x8F2B, s0  }
0xc0: {  	[sflag:s0] =	ssyncadd.remote.s32 $0x1  }
0xc1: {  	_ =	sfence.sel $0xFFFF  }
0xc2: {  	[dreg:$0x0] =	wrdreg $0xFFFFFFFF;
	(pc) =	sbr.abs _section_cstart, $3  }
0xc3: {  	[dreg:$0x1] =	wrdreg $0xFFFFFFFF  }
0xc4: {  	_ =	task.clear_ibuf [dreg:s8], $0x2FFFF;
	_ =	strace $0x9FFFFFFF  }
0xc5: {  	(tm) =	ssettm $0x7FFFFFFF  }
tec
execute0_lowered:
.L_overlay_start_1:
0x0: {  	(tag) =	ssettag $0x1  }
0x1: {  	s1 =	rddreg [dreg:$0x0]  }
0x2: {  	s0 =	rddreg [dreg:$0x1]  }
0x3: {  	s2 =	rddreg [dreg:$0x2]  }
0x4: {  	s3 =	rddreg [dreg:$0x3]  }
0x5: {  	s4 =	srdreg.scid;
	s12 =	stileid.u32;
	s18 =	simm.s32 $0x2C00  }
0x6: {  	s23 =	simm.s32 $0x2C80;
	s24 =	simm.s32 $0x2D00;
	s25 =	simm.s32 $0x2D80  }
0x7: {  	s26 =	simm.s32 $0x2E80;
	s28 =	simm.s32 $0x4;
	s7 =	smul.u32 $0x14000, s12  }
0x8: {  	s29 =	simm.s32 $0x2F00;
	s30 =	simm.s32 $0x2F80;
	s19 =	smul.u32 $0x50000, s12  }
0x9: {  	s31 =	simm.s32 $0x0;
	s6 =	sand.u32 $0x1, s4;
	s15 =	smul.u32 $0x5800, s12  }
0xa: {  	s4 =	simm.s32 $0x0;
	s8 =	sshll.u32 s12, $0x1;
	s5 =	smul.u32 $0x140000, s6  }
0xb: {  	[smem:$0x7FF] =	sst s4;
	s8 =	sor.u32 s6, s8;
	s9 =	ssub.s32 $0x2, s6  }
0xc: {  	s22 =	smul.u32 $0x2C00, s6;
	_ =	strace $0x80000047;
	[dreg:$0x5] =	wrdreg s23  }
0xd: {  	s8 =	smul.u32 $0x2C00, s8;
	s10 =	sshrl.u32 s9, $0x1;
	[dreg:$0x6] =	wrdreg s24  }
0xe: {  	s21 =	sshrl.u32 s19, $0x2;
	s19 =	simm.s32 $0x2E00;
	[dreg:$0x7] =	wrdreg s25  }
0xf: {  	s23 =	simm.s32 $0x80;
	s24 =	simm.s32 $0x3;
	[dreg:$0x8] =	wrdreg s26  }
0x10: {  	s25 =	simm.s32 $0x7000;
	s26 =	simm.s32 $0x2;
	s7 =	sadd.s32 s7, s5  }
0x11: {  	s5 =	sadd.s32 $0x200, s2;
	s16 =	ssub.s32 s9, s10;
	s9 =	sadd.s32 s21, s3  }
0x12: {  	s21 =	simm.s32 $0x5;
	s7 =	sshrl.u32 s7, $0x3;
	s11 =	sshrl.u32 s8, $0x3  }
0x13: {  	s8 =	sadd.s32 $0x240, s2;
	s12 =	sadd.s32 $0x8000, s9;
	s13 =	sadd.s32 $0xC000, s9  }
0x14: {  	s14 =	sadd.s32 $0x10000, s9;
	s16 =	smax.u32 s16, $0x1;
	s0 =	sadd.s32 s0, s11  }
0x15: {  	s7 =	sadd.s32 s7, s2;
	s20 =	sadd.s32 s5, s11;
	[dreg:$0x9] =	wrdreg s0  }
0x16: {  	s2 =	sadd.s32 s11, s8;
	s11 =	sadd.s32 $0x4000, s9;
	[dreg:$0xa] =	wrdreg s20  }
0x17: {  	[dreg:$0xb] =	wrdreg s2;
	s0 =	sadd.s32 s22, s15;
	s15 =	sadd.s32 $0xB200, s7  }
0x18: {  	v0 =	vimm.f32 $0.0e+00;
	s20 =	simm.s32 $0x3000;
	s22 =	simm.s32 $0x1;
	s17 =	sadd.s32 $0x400, s0  }
.LBB2_1:
0x19: {  	s0 =	rddreg [dreg:$0x9]  }
0x1a: {  	[tilespmem:s4], [sflag:$0x1] =	stream.linear.gather [hbm4b:s0+s4], $0x2C00, $0x38;
	[tilespmem:$0x1F000] =	vst v63  }
0x1b: {  	s7 =	rddreg [dreg:$0xa]  }
0x1c: {  	[tilespmem:s18], [sflag:$0x3] =	stream.linear.gather [hbm4b:s7+s4], $0x200, $0x38;
	[tilespmem:$0x1F000] =	vst v63  }
0x1d: {  	s10 =	rddreg [dreg:$0xb];
	s2 =	simm.s32 $0x200;
	s0 =	simm.s32 $0x0  }
0x1e: {  	[tilespmem:s19], [sflag:$0x4] =	stream.linear.gather [hbm4b:s10+s4], $0x200, $0x38;
	[tilespmem:$0x1F000] =	vst v63  }
.LBB2_2:
0x1f: {  	p0 =	sne.s32 s2, $0xFE00;
	[tilespmem:s0+$0x3070] =	vst v0  }
0x20: {  	[tilespmem:s0+$0x3000] =	vst v0  }
0x21: {  	[tilespmem:s0+$0x3010] =	vst v0  }
.Ltmp0:
0x22: {  	[tilespmem:s0+$0x3020] =	vst v0;
	(pc) =	sbr.rel @p0 .LBB2_2-.Ltmp0, $4  }
0x23: {  	[tilespmem:s0+$0x3030] =	vst v0  }
0x24: {  	[tilespmem:s0+$0x3040] =	vst v0  }
0x25: {  	[tilespmem:s0+$0x3050] =	vst v0  }
0x26: {  	[tilespmem:s0+$0x3060] =	vst v0;
	s0 =	sshra.s32 s2, $0x2;
	s2 =	sadd.s32 $0x200, s2  }
0x27: {  	[tilespmem:s0+$0x3070] =	vst v0  }
0x28: {  	[tilespmem:s0+$0x3000] =	vst v0  }
0x29: {  	[tilespmem:s0+$0x3010] =	vst v0  }
0x2a: {  	[tilespmem:s0+$0x3020] =	vst v0  }
0x2b: {  	[tilespmem:s0+$0x3030] =	vst v0  }
0x2c: {  	[tilespmem:s0+$0x3040] =	vst v0  }
0x2d: {  	[tilespmem:s0+$0x3050] =	vst v0  }
0x2e: {  	[tilespmem:s0+$0x3060] =	vst v0  }
0x2f: {  	[spmem:s9] =	stream.linear.scatter [tilespmem:s20], [sflag:$0x5], $0x4000, $0x38;
	[tilespmem:$0x1F000] =	vst v63  }
0x30: {  	_ =	swait.ge [sflag:s21], $0x4000  }
0x31: {  	[sflag:s21] =	ssyncset.done $0x0  }
0x32: {  	[sflag:s21] =	ssyncadd.s32 $0xFFFFC000  }
0x33: {  	[spmem:s11] =	stream.linear.scatter [tilespmem:s20], [sflag:$0x5], $0x4000, $0x38;
	[tilespmem:$0x1F000] =	vst v63  }
0x34: {  	_ =	swait.ge [sflag:s21], $0x4000  }
0x35: {  	[sflag:s21] =	ssyncset.done $0x0  }
0x36: {  	[sflag:s21] =	ssyncadd.s32 $0xFFFFC000  }
0x37: {  	[spmem:s12] =	stream.linear.scatter [tilespmem:s20], [sflag:$0x5], $0x4000, $0x38;
	[tilespmem:$0x1F000] =	vst v63  }
0x38: {  	_ =	swait.ge [sflag:s21], $0x4000  }
0x39: {  	[sflag:s21] =	ssyncset.done $0x0  }
0x3a: {  	[sflag:s21] =	ssyncadd.s32 $0xFFFFC000  }
0x3b: {  	[spmem:s13] =	stream.linear.scatter [tilespmem:s20], [sflag:$0x5], $0x4000, $0x38;
	[tilespmem:$0x1F000] =	vst v63  }
0x3c: {  	_ =	swait.ge [sflag:s21], $0x4000  }
0x3d: {  	[sflag:s21] =	ssyncset.done $0x0  }
0x3e: {  	[sflag:s21] =	ssyncadd.s32 $0xFFFFC000  }
0x3f: {  	[spmem:s14] =	stream.linear.scatter [tilespmem:s20], [sflag:$0x5], $0x4000, $0x38;
	[tilespmem:$0x1F000] =	vst v63  }
0x40: {  	_ =	swait.ge [sflag:s21], $0x4000  }
0x41: {  	[sflag:s21] =	ssyncset.done $0x0  }
0x42: {  	[sflag:s21] =	ssyncadd.s32 $0xFFFFC000  }
0x43: {  	_ =	swait.ge [sflag:s22], $0x2C00  }
0x44: {  	[sflag:s22] =	ssyncset.done $0x0  }
0x45: {  	[sflag:s22] =	ssyncadd.s32 $0xFFFFD400  }
0x46: {  	s6 =	simm.s32 $0x0;
	[bflag:$0x0] =	sbarrier.arrive $0xFFFF  }
0x47: {  	[tilespmem:s20], [sflag:$0x1] =	stream.indirect.gather [hbm4b:s1+s23], $0x80, s6, s23, $0xb8;
	[tilespmem:$0x1F000] =	vst v63  }
0x48: {  	_ =	swait.ge [sflag:s24], $0x200  }
0x49: {  	[sflag:s24] =	ssyncset.done $0x0  }
0x4a: {  	s7 =	simm.s32 $0x80;
	[sflag:s24] =	ssyncadd.s32 $0xFFFFFE00  }
0x4b: {  	[tilespmem:s25], [sflag:$0x2] =	stream.indirect.gather [hbm4b:s1+s23], $0x80, s7, s23, $0xb8;
	[tilespmem:$0x1F000] =	vst v63  }
0x4c: {  	_ =	swait.ge [sflag:s22], $0x4000  }
0x4d: {  	[sflag:s22] =	ssyncset.done $0x0  }
0x4e: {  	[sflag:s22] =	ssyncadd.s32 $0xFFFFC000  }
0x4f: {  	[spmem:s3] =	stream.indirect.scatter.add.f32 [tilespmem:s20], [sflag:$0x5], $0x80, s18, s23, $0xb8;
	[tilespmem:$0x1F000] =	vst v63  }
0x50: {  	_ =	swait.ge [sflag:s21], $0x4000  }
0x51: {  	[sflag:s21] =	ssyncset.done $0x0  }
0x52: {  	s10 =	simm.s32 $0x100;
	[sflag:s21] =	ssyncadd.s32 $0xFFFFC000  }
0x53: {  	[tilespmem:s20], [sflag:$0x1] =	stream.indirect.gather [hbm4b:s1+s23], $0x80, s10, s23, $0xb8;
	[tilespmem:$0x1F000] =	vst v63  }
0x54: {  	_ =	swait.ge [sflag:s26], $0x4000  }
0x55: {  	[sflag:s26] =	ssyncset.done $0x0  }
0x56: {  	s2 =	rddreg [dreg:$0x5];
	[sflag:s26] =	ssyncadd.s32 $0xFFFFC000  }
0x57: {  	[spmem:s3] =	stream.indirect.scatter.add.f32 [tilespmem:s25], [sflag:$0x5], $0x80, s2, s23, $0xb8;
	[tilespmem:$0x1F000] =	vst v63  }
0x58: {  	_ =	swait.ge [sflag:s21], $0x4000  }
0x59: {  	[sflag:s21] =	ssyncset.done $0x0  }
0x5a: {  	s6 =	simm.s32 $0x180;
	[sflag:s21] =	ssyncadd.s32 $0xFFFFC000  }
0x5b: {  	[tilespmem:s25], [sflag:$0x2] =	stream.indirect.gather [hbm4b:s1+s23], $0x80, s6, s23, $0xb8;
	[tilespmem:$0x1F000] =	vst v63  }
0x5c: {  	_ =	swait.ge [sflag:s22], $0x4000  }
0x5d: {  	[sflag:s22] =	ssyncset.done $0x0  }
0x5e: {  	s7 =	rddreg [dreg:$0x6];
	[sflag:s22] =	ssyncadd.s32 $0xFFFFC000  }
0x5f: {  	[spmem:s3] =	stream.indirect.scatter.add.f32 [tilespmem:s20], [sflag:$0x5], $0x80, s7, s23, $0xb8;
	[tilespmem:$0x1F000] =	vst v63  }
0x60: {  	_ =	swait.ge [sflag:s21], $0x4000  }
0x61: {  	[sflag:s21] =	ssyncset.done $0x0  }
0x62: {  	s10 =	simm.s32 $0x200;
	[sflag:s21] =	ssyncadd.s32 $0xFFFFC000  }
0x63: {  	[tilespmem:s20], [sflag:$0x1] =	stream.indirect.gather [hbm4b:s1+s23], $0x80, s10, s23, $0xb8;
	[tilespmem:$0x1F000] =	vst v63  }
0x64: {  	_ =	swait.ge [sflag:s26], $0x4000  }
0x65: {  	[sflag:s26] =	ssyncset.done $0x0  }
0x66: {  	s2 =	rddreg [dreg:$0x7];
	[sflag:s26] =	ssyncadd.s32 $0xFFFFC000  }
0x67: {  	[spmem:s3] =	stream.indirect.scatter.add.f32 [tilespmem:s25], [sflag:$0x5], $0x80, s2, s23, $0xb8;
	[tilespmem:$0x1F000] =	vst v63  }
0x68: {  	_ =	swait.ge [sflag:s21], $0x4000  }
0x69: {  	s2 =	sshrl.u32 s17, $0x3;
	[sflag:s21] =	ssyncset.done $0x0  }
0x6a: {  	s6 =	sadd.s32 s5, s2;
	[sflag:s21] =	ssyncadd.s32 $0xFFFFC000  }
0x6b: {  	[tilespmem:s18], [sflag:$0x3] =	stream.linear.gather [hbm4b:s6+s4], $0x200, $0x38;
	[tilespmem:$0x1F000] =	vst v63  }
0x6c: {  	_ =	swait.ge [sflag:s28], $0x200  }
0x6d: {  	[sflag:s28] =	ssyncset.done $0x0  }
0x6e: {  	s7 =	simm.s32 $0x280;
	[sflag:s28] =	ssyncadd.s32 $0xFFFFFE00  }
0x6f: {  	[tilespmem:s25], [sflag:$0x2] =	stream.indirect.gather [hbm4b:s1+s23], $0x80, s7, s23, $0xb8;
	[tilespmem:$0x1F000] =	vst v63  }
0x70: {  	_ =	swait.ge [sflag:s22], $0x4000  }
0x71: {  	[sflag:s22] =	ssyncset.done $0x0  }
0x72: {  	[sflag:s22] =	ssyncadd.s32 $0xFFFFC000  }
0x73: {  	[spmem:s3] =	stream.indirect.scatter.add.f32 [tilespmem:s20], [sflag:$0x5], $0x80, s19, s23, $0xb8;
	[tilespmem:$0x1F000] =	vst v63  }
0x74: {  	_ =	swait.ge [sflag:s21], $0x4000  }
0x75: {  	[sflag:s21] =	ssyncset.done $0x0  }
0x76: {  	s10 =	simm.s32 $0x300;
	[sflag:s21] =	ssyncadd.s32 $0xFFFFC000  }
0x77: {  	[tilespmem:s20], [sflag:$0x1] =	stream.indirect.gather [hbm4b:s1+s23], $0x80, s10, s23, $0xb8;
	[tilespmem:$0x1F000] =	vst v63  }
0x78: {  	_ =	swait.ge [sflag:s26], $0x4000  }
0x79: {  	[sflag:s26] =	ssyncset.done $0x0  }
0x7a: {  	s6 =	rddreg [dreg:$0x8];
	[sflag:s26] =	ssyncadd.s32 $0xFFFFC000  }
0x7b: {  	[spmem:s3] =	stream.indirect.scatter.add.f32 [tilespmem:s25], [sflag:$0x5], $0x80, s6, s23, $0xb8;
	[tilespmem:$0x1F000] =	vst v63  }
0x7c: {  	_ =	swait.ge [sflag:s21], $0x4000  }
0x7d: {  	[sflag:s21] =	ssyncset.done $0x0  }
0x7e: {  	s7 =	simm.s32 $0x380;
	[sflag:s21] =	ssyncadd.s32 $0xFFFFC000  }
0x7f: {  	[tilespmem:s25], [sflag:$0x2] =	stream.indirect.gather [hbm4b:s1+s23], $0x80, s7, s23, $0xb8;
	[tilespmem:$0x1F000] =	vst v63  }
0x80: {  	_ =	swait.ge [sflag:s22], $0x4000  }
0x81: {  	[sflag:s22] =	ssyncset.done $0x0  }
0x82: {  	[sflag:s22] =	ssyncadd.s32 $0xFFFFC000  }
0x83: {  	[spmem:s3] =	stream.indirect.scatter.add.f32 [tilespmem:s20], [sflag:$0x5], $0x80, s29, s23, $0xb8;
	[tilespmem:$0x1F000] =	vst v63  }
0x84: {  	_ =	swait.ge [sflag:s21], $0x4000  }
0x85: {  	[sflag:s21] =	ssyncset.done $0x0  }
0x86: {  	s10 =	simm.s32 $0x400;
	[sflag:s21] =	ssyncadd.s32 $0xFFFFC000  }
0x87: {  	[tilespmem:s20], [sflag:$0x1] =	stream.indirect.gather [hbm4b:s1+s23], $0x80, s10, s23, $0xb8;
	[tilespmem:$0x1F000] =	vst v63  }
0x88: {  	_ =	swait.ge [sflag:s26], $0x4000  }
0x89: {  	[sflag:s26] =	ssyncset.done $0x0  }
0x8a: {  	[sflag:s26] =	ssyncadd.s32 $0xFFFFC000  }
0x8b: {  	[spmem:s3] =	stream.indirect.scatter.add.f32 [tilespmem:s25], [sflag:$0x5], $0x80, s30, s23, $0xb8;
	[tilespmem:$0x1F000] =	vst v63  }
0x8c: {  	_ =	swait.ge [sflag:s21], $0x4000  }
0x8d: {  	s0 =	simm.s32 $0x1000;
	[sflag:s21] =	ssyncset.done $0x0  }
0x8e: {  	s6 =	sadd.s32 s2, s8;
	s2 =	sadd.s32 $0x400, s17;
	[sflag:s21] =	ssyncadd.s32 $0xFFFFC000  }
.LBB2_4:
0x8f: {  	[tilespmem:s19], [sflag:$0x4] =	stream.linear.gather [hbm4b:s6+s4], $0x200, $0x38;
	[tilespmem:$0x1F000] =	vst v63  }
0x90: {  	s7 =	smov.u32 s0;
	_ =	swait.ge [sflag:s24], $0x200  }
0x91: {  	s6 =	sshra.s32 s7, $0x2;
	[sflag:s24] =	ssyncset.done $0x0  }
0x92: {  	s7 =	sadd.s32 $0x80, s6;
	[sflag:s24] =	ssyncadd.s32 $0xFFFFFE00  }
0x93: {  	[tilespmem:s25], [sflag:$0x2] =	stream.indirect.gather [hbm4b:s1+s23], $0x80, s7, s23, $0xb8;
	[tilespmem:$0x1F000] =	vst v63  }
0x94: {  	_ =	swait.ge [sflag:s22], $0x4000  }
0x95: {  	[sflag:s22] =	ssyncset.done $0x0  }
0x96: {  	[sflag:s22] =	ssyncadd.s32 $0xFFFFC000  }
0x97: {  	[spmem:s3] =	stream.indirect.scatter.add.f32 [tilespmem:s20], [sflag:$0x5], $0x80, s18, s23, $0xb8;
	[tilespmem:$0x1F000] =	vst v63  }
0x98: {  	_ =	swait.ge [sflag:s21], $0x4000  }
0x99: {  	[sflag:s21] =	ssyncset.done $0x0  }
0x9a: {  	s10 =	sadd.s32 $0x100, s6;
	[sflag:s21] =	ssyncadd.s32 $0xFFFFC000  }
0x9b: {  	[tilespmem:s20], [sflag:$0x1] =	stream.indirect.gather [hbm4b:s1+s23], $0x80, s10, s23, $0xb8;
	[tilespmem:$0x1F000] =	vst v63  }
0x9c: {  	_ =	swait.ge [sflag:s26], $0x4000  }
0x9d: {  	[sflag:s26] =	ssyncset.done $0x0  }
0x9e: {  	s10 =	rddreg [dreg:$0x5];
	[sflag:s26] =	ssyncadd.s32 $0xFFFFC000  }
0x9f: {  	[spmem:s3] =	stream.indirect.scatter.add.f32 [tilespmem:s25], [sflag:$0x5], $0x80, s10, s23, $0xb8;
	[tilespmem:$0x1F000] =	vst v63  }
0xa0: {  	_ =	swait.ge [sflag:s21], $0x4000  }
0xa1: {  	[sflag:s21] =	ssyncset.done $0x0  }
0xa2: {  	s10 =	sadd.s32 $0x180, s6;
	[sflag:s21] =	ssyncadd.s32 $0xFFFFC000  }
0xa3: {  	[tilespmem:s25], [sflag:$0x2] =	stream.indirect.gather [hbm4b:s1+s23], $0x80, s10, s23, $0xb8;
	[tilespmem:$0x1F000] =	vst v63  }
0xa4: {  	_ =	swait.ge [sflag:s22], $0x4000  }
0xa5: {  	[sflag:s22] =	ssyncset.done $0x0  }
0xa6: {  	s10 =	rddreg [dreg:$0x6];
	[sflag:s22] =	ssyncadd.s32 $0xFFFFC000  }
0xa7: {  	[spmem:s3] =	stream.indirect.scatter.add.f32 [tilespmem:s20], [sflag:$0x5], $0x80, s10, s23, $0xb8;
	[tilespmem:$0x1F000] =	vst v63  }
0xa8: {  	_ =	swait.ge [sflag:s21], $0x4000  }
0xa9: {  	[sflag:s21] =	ssyncset.done $0x0  }
0xaa: {  	s10 =	sadd.s32 $0x200, s6;
	[sflag:s21] =	ssyncadd.s32 $0xFFFFC000  }
0xab: {  	[tilespmem:s20], [sflag:$0x1] =	stream.indirect.gather [hbm4b:s1+s23], $0x80, s10, s23, $0xb8;
	[tilespmem:$0x1F000] =	vst v63  }
0xac: {  	_ =	swait.ge [sflag:s26], $0x4000  }
0xad: {  	[sflag:s26] =	ssyncset.done $0x0  }
0xae: {  	s10 =	rddreg [dreg:$0x7];
	[sflag:s26] =	ssyncadd.s32 $0xFFFFC000  }
0xaf: {  	[spmem:s3] =	stream.indirect.scatter.add.f32 [tilespmem:s25], [sflag:$0x5], $0x80, s10, s23, $0xb8;
	[tilespmem:$0x1F000] =	vst v63  }
0xb0: {  	_ =	swait.ge [sflag:s21], $0x4000  }
0xb1: {  	s7 =	sshrl.u32 s2, $0x3;
	[sflag:s21] =	ssyncset.done $0x0  }
0xb2: {  	s10 =	sadd.s32 s5, s7;
	[sflag:s21] =	ssyncadd.s32 $0xFFFFC000  }
0xb3: {  	[tilespmem:s18], [sflag:$0x3] =	stream.linear.gather [hbm4b:s10+s4], $0x200, $0x38;
	[tilespmem:$0x1F000] =	vst v63  }
0xb4: {  	_ =	swait.ge [sflag:s28], $0x200  }
0xb5: {  	[sflag:s28] =	ssyncset.done $0x0  }
0xb6: {  	s10 =	sadd.s32 $0x280, s6;
	[sflag:s28] =	ssyncadd.s32 $0xFFFFFE00  }
0xb7: {  	[tilespmem:s25], [sflag:$0x2] =	stream.indirect.gather [hbm4b:s1+s23], $0x80, s10, s23, $0xb8;
	[tilespmem:$0x1F000] =	vst v63  }
0xb8: {  	_ =	swait.ge [sflag:s22], $0x4000  }
0xb9: {  	[sflag:s22] =	ssyncset.done $0x0  }
0xba: {  	[sflag:s22] =	ssyncadd.s32 $0xFFFFC000  }
0xbb: {  	[spmem:s3] =	stream.indirect.scatter.add.f32 [tilespmem:s20], [sflag:$0x5], $0x80, s19, s23, $0xb8;
	[tilespmem:$0x1F000] =	vst v63  }
0xbc: {  	_ =	swait.ge [sflag:s21], $0x4000  }
0xbd: {  	[sflag:s21] =	ssyncset.done $0x0  }
0xbe: {  	s10 =	sadd.s32 $0x300, s6;
	[sflag:s21] =	ssyncadd.s32 $0xFFFFC000  }
0xbf: {  	[tilespmem:s20], [sflag:$0x1] =	stream.indirect.gather [hbm4b:s1+s23], $0x80, s10, s23, $0xb8;
	[tilespmem:$0x1F000] =	vst v63  }
0xc0: {  	_ =	swait.ge [sflag:s26], $0x4000  }
0xc1: {  	[sflag:s26] =	ssyncset.done $0x0  }
0xc2: {  	s10 =	rddreg [dreg:$0x8];
	[sflag:s26] =	ssyncadd.s32 $0xFFFFC000  }
0xc3: {  	[spmem:s3] =	stream.indirect.scatter.add.f32 [tilespmem:s25], [sflag:$0x5], $0x80, s10, s23, $0xb8;
	[tilespmem:$0x1F000] =	vst v63  }
0xc4: {  	_ =	swait.ge [sflag:s21], $0x4000  }
0xc5: {  	[sflag:s21] =	ssyncset.done $0x0  }
0xc6: {  	s10 =	sadd.s32 $0x380, s6;
	[sflag:s21] =	ssyncadd.s32 $0xFFFFC000  }
0xc7: {  	[tilespmem:s25], [sflag:$0x2] =	stream.indirect.gather [hbm4b:s1+s23], $0x80, s10, s23, $0xb8;
	[tilespmem:$0x1F000] =	vst v63  }
0xc8: {  	_ =	swait.ge [sflag:s22], $0x4000  }
0xc9: {  	[sflag:s22] =	ssyncset.done $0x0  }
0xca: {  	[sflag:s22] =	ssyncadd.s32 $0xFFFFC000  }
0xcb: {  	[spmem:s3] =	stream.indirect.scatter.add.f32 [tilespmem:s20], [sflag:$0x5], $0x80, s29, s23, $0xb8;
	[tilespmem:$0x1F000] =	vst v63  }
0xcc: {  	_ =	swait.ge [sflag:s21], $0x4000  }
0xcd: {  	[sflag:s21] =	ssyncset.done $0x0  }
0xce: {  	s6 =	sadd.s32 $0x400, s6;
	[sflag:s21] =	ssyncadd.s32 $0xFFFFC000  }
0xcf: {  	[tilespmem:s20], [sflag:$0x1] =	stream.indirect.gather [hbm4b:s1+s23], $0x80, s6, s23, $0xb8;
	[tilespmem:$0x1F000] =	vst v63  }
0xd0: {  	_ =	swait.ge [sflag:s26], $0x4000  }
0xd1: {  	p0 =	sne.s32 s0, $0x9000;
	[sflag:s26] =	ssyncset.done $0x0  }
.Ltmp1:
0xd2: {  	[sflag:s26] =	ssyncadd.s32 $0xFFFFC000;
	(pc) =	sbr.rel @p0 .LBB2_4-.Ltmp1, $4  }
0xd3: {  	[spmem:s3] =	stream.indirect.scatter.add.f32 [tilespmem:s25], [sflag:$0x5], $0x80, s30, s23, $0xb8;
	[tilespmem:$0x1F000] =	vst v63  }
0xd4: {  	_ =	swait.ge [sflag:s21], $0x4000  }
0xd5: {  	s0 =	sadd.s32 $0x1000, s0;
	[sflag:s21] =	ssyncset.done $0x0  }
0xd6: {  	s2 =	sadd.s32 $0x400, s2;
	s6 =	sadd.s32 s7, s8;
	[sflag:s21] =	ssyncadd.s32 $0xFFFFC000  }
0xd7: {  	[tilespmem:s19], [sflag:$0x4] =	stream.linear.gather [hbm4b:s6+s4], $0x200, $0x38;
	[tilespmem:$0x1F000] =	vst v63  }
0xd8: {  	_ =	swait.ge [sflag:s24], $0x200  }
0xd9: {  	[sflag:s24] =	ssyncset.done $0x0  }
0xda: {  	[sflag:s24] =	ssyncadd.s32 $0xFFFFFE00  }
0xdb: {  	_ =	swait.ge [sflag:s28], $0x200  }
0xdc: {  	[sflag:s28] =	ssyncset.done $0x0  }
0xdd: {  	[sflag:s28] =	ssyncadd.s32 $0xFFFFFE00  }
0xde: {  	s0 =	stileid.u32;
	_ =	swait.ge [sflag:s22], $0x4000  }
0xdf: {  	s2 =	sshrl.u32 s9, $0x3;
	s31 =	sadd.s32 $0x1, s31;
	[sflag:s22] =	ssyncset.done $0x0  }
0xe0: {  	s0 =	sshll.u32 s0, $0x6;
	p0 =	sne.s32 s31, s16;
	[sflag:s22] =	ssyncadd.s32 $0xFFFFC000  }
.Ltmp2:
0xe1: {  	s0 =	sor.u32 $0x1C05, s0;
	[bflag:$0x0] =	sbarrier.arrive $0xFFFF;
	(pc) =	sbr.rel @p0 .LBB2_1-.Ltmp2, $4  }
0xe2: {  	[hbm:s15], [sflag:s0] =	dma.local [spmem:s2], $0x2800  }
0xe3: {  	_ =	swait.ge [sflag:s21], $0x2800  }
0xe4: {  	[sflag:s21] =	ssyncset.done $0x0  }
0xe5: {  	[sflag:s21] =	ssyncadd.s32 $0xFFFFD800  }
0xe6: {  	_ =	sfence.sel $0x180000  }
0xe7: {  	[bflag:$0x0] =	sbarrier.arrive $0xFFFF  }
0xe8: {  	_ =	strace $0x90000047  }
0xe9: {  	s0 =	stileid.u32;
	[bflag:$0x2] =	sbarrier.arrive $0xFFFF  }
0xea: {  	p0 =	sne.s32 s0, $0x0;
	s0 =	rddreg [dreg:$0x4]  }
0xeb: {  	s0 =	sadd.s32 @!p0 $0x100000, s0  }
0xec: {  	[sflag:s0] =	ssyncadd.tile.s32 @!p0 $0x1;
	_ =	shalt  }
.Lfunc_end2:
_tile_overlayer_lowered:
.L_overlay_start_2:
0xed: {  	(tag) =	ssettag $0x2  }
0xee: {  	s0 =	rddreg [dreg:$0x0];
	s2 =	stileid.u32  }
0xef: {  	s1 =	rddreg [dreg:$0x1];
	p0 =	sne.s32 s2, $0x0  }
0xf0: {  	s3 =	rddreg [dreg:$0x2];
	[bflag:$0x3] =	sbarrier.arrive $0xFFFF;
	s2 =	simm.s32 @!p0 $0x1C05  }
0xf1: {  	[timem:s3], [sflag:s2] =	dma.local @!p0 [hbm:s0], s1  }
0xf2: {  	s0 =	simm.s32 @!p0 $0x5  }
0xf3: {  	_ =	swait.ge @!p0 [sflag:s0], s1  }
0xf4: {  	s1 =	ssub.s32 @!p0 $0x0, s1;
	[sflag:s0] =	ssyncset.done @!p0 $0x0  }
0xf5: {  	[sflag:s0] =	ssyncadd.s32 @!p0 s1  }
0xf6: {  	[bflag:$0x3] =	sbarrier.arrive $0xFFFF  }
0xf7: {  	_ =	shalt  }

</sc_bundles>
